<compile_context>
chip_gen: v7x
topology: tpu7x:2x2x1
jax: 0.10.2.dev20260603
libtpu: 0.0.44.dev20260713+nightly
codegen_flags: <defaults>
</compile_context>

<pallas_src>
import functools

import jax
import jax.numpy as jnp
from jax import lax
from jax.experimental import pallas as pl
from jax.experimental.pallas import tpu as pltpu
from jax.experimental.pallas import tpu_sc as plsc

B, L, V, D = 16384, 200, 81, 64
VP = 81
TP = 88
P = V * VP
T = B * L
NC, NS = 2, 16
NW = NC * NS
BR = B // NW
GR = 128
NG = BR // GR
PC = L // 2
XR = L * GR // 128
XROWS2 = T // 128


def _body(table_hbm, idx_hbm, out_hbm, pair_s, xs_v, pidx_v, wb0, wb1, wb2,
          gsem, wsem0, wsem1, wsem2):
    cid = lax.axis_index("c")
    sid = lax.axis_index("s")
    wid = sid * NC + cid
    xrow_base = wid * (L * BR // 128)
    orow_base = wid * BR

    pltpu.sync_copy(table_hbm, wb1.at[pl.ds(0, TP)])

    def build_i(k, carry):
        i = sid + k * NS

        @pl.when(i < V)
        def _():
            lefts = [wb1[i, pl.ds(c * 16, 16)] for c in range(D // 16)]

            def put(j, carry2):
                for c in range(D // 16):
                    wb0[j, pl.ds(c * 16, 16)] = lefts[c]
                    wb0[j, pl.ds(D + c * 16, 16)] = wb1[j, pl.ds(c * 16, 16)]
                return carry2

            lax.fori_loop(0, V, put, 0)
            pltpu.sync_copy(wb0.at[pl.ds(0, VP)], pair_s.at[pl.ds(i * VP, VP)])
        return carry

    lax.fori_loop(0, (V + NS - 1) // NS, build_i, 0)
    plsc.subcore_barrier()

    wbufs = (wb0, wb1, wb2)
    wsems = (wsem0, wsem1, wsem2)
    iot = lax.iota(jnp.int32, 16)

    def compute_pidx(c, carry):
        for q in range(GR // 16):
            flat_e = (q * 16 + iot) * L + 2 * c
            flat_o = flat_e + 1
            even = plsc.load_gather(
                xs_v, [lax.shift_right_logical(flat_e, 7), flat_e & 127]
            )
            odd = plsc.load_gather(
                xs_v, [lax.shift_right_logical(flat_o, 7), flat_o & 127]
            )
            pidx_v[c & 3, pl.ds(q * 16, 16)] = even * VP + odd
        return carry

    def fire(blk, buf):
        return pltpu.async_copy(
            pair_s.at[pidx_v.at[blk & 3]], wbufs[buf], gsem
        )

    def group(g, carry):
        pltpu.sync_copy(idx_hbm.at[pl.ds(xrow_base + g * XR, XR)], xs_v)
        compute_pidx(0, 0)
        compute_pidx(1, 0)
        compute_pidx(2, 0)
        r0 = orow_base + g * GR

        def out_slice(blk):
            return out_hbm.at[pl.ds(r0, GR), pl.ds(blk * 128, 128)]

        def block3(h, carry2):
            for t in range(3):
                b = 3 * h + t

                @pl.when(h > 0)
                def _():
                    pltpu.make_async_copy(
                        wbufs[t], out_slice(b - 3), wsems[t]
                    ).wait()

                gd = fire(b, t)

                @pl.when(b + 3 < PC)
                def _():
                    compute_pidx(b + 3, 0)

                gd.wait()
                pltpu.async_copy(wbufs[t], out_slice(b), wsems[t])
            return carry2

        lax.fori_loop(0, PC // 3, block3, 0)
        pltpu.make_async_copy(wbufs[0], out_slice(PC - 4), wsems[0]).wait()
        fire(PC - 1, 0).wait()
        pltpu.async_copy(wbufs[0], out_slice(PC - 1), wsems[0])
        pltpu.make_async_copy(wbufs[1], out_slice(PC - 3), wsems[1]).wait()
        pltpu.make_async_copy(wbufs[2], out_slice(PC - 2), wsems[2]).wait()
        pltpu.make_async_copy(wbufs[0], out_slice(PC - 1), wsems[0]).wait()
        return carry

    lax.fori_loop(0, NG, group, 0)


_emb = functools.partial(
    pl.kernel,
    out_type=jax.ShapeDtypeStruct((B, L * D), jnp.float32),
    mesh=plsc.VectorSubcoreMesh(
        core_axis_name="c", subcore_axis_name="s", num_cores=NC, num_subcores=NS
    ),
    scratch_types=[
        pltpu.VMEM_SHARED((P, 128), jnp.float32),
        pltpu.VMEM((XR, 128), jnp.int32),
        pltpu.VMEM((4, GR), jnp.int32),
        pltpu.VMEM((GR, 128), jnp.float32),
        pltpu.VMEM((GR, 128), jnp.float32),
        pltpu.VMEM((GR, 128), jnp.float32),
        pltpu.SemaphoreType.DMA,
        pltpu.SemaphoreType.DMA,
        pltpu.SemaphoreType.DMA,
        pltpu.SemaphoreType.DMA,
    ],
    compiler_params=pltpu.CompilerParams(needs_layout_passes=False),
)(_body)


def kernel(x, table):
    table_p = jnp.pad(table, ((0, TP - V), (0, 128 - D)))
    return _emb(table_p, x.reshape(XROWS2, 128))

# --- scband reference (transcript-rebuilt; emitter-appended) ---
"""Pipeline reference for scband-embedd-37460704756359 (READ-ONLY COPY).

The authoritative reference and input builder live on the scoring server;
editing this copy changes nothing except your own understanding.
"""

import jax, jax.numpy as jnp
import numpy as np


def setup_inputs(seed: int = 0) -> dict:
    key = jax.random.key(seed)
    k1, k2 = jax.random.split(key)
    # indices in [0, 81); padding_idx = 0
    x = jax.random.randint(k1, (16384, 200), 0, 81)
    # embedding table [81, 64]; padding_idx row zeroed as in nn.Embedding(padding_idx=0)
    table = jax.random.normal(k2, (81, 64), dtype=jnp.float32)
    table = table.at[0].set(0.0)
    return {"x": x, "table": table}


def reference(x, table):
    # nn.Embedding lookup
    emb = jnp.take(table, x, axis=0)          # [B, L, D]
    # torch.flatten(x, start_dim=1)
    out = emb.reshape(emb.shape[0], -1)       # [B, L*D]
    return out

if __name__ == "__main__":
    import jax
    _d = setup_inputs()
    print(jax.jit(kernel)(*tuple(_d.values())))

</pallas_src>

<mosaic_0001>
#map = affine_map<(d0, d1) -> (0, 0)>
module attributes {stable_mosaic.version = 14 : i64} {
  func.func @_body(%arg0: i32, %arg1: i32, %arg2: memref<88x128xf32, #tpu.memory_space<hbm>>, %arg3: memref<25600x128xi32, #tpu.memory_space<hbm>>, %arg4: memref<16384x12800xf32, #tpu.memory_space<hbm>>, %arg5: memref<6561x128xf32, #tpu.memory_space<vmem_shared>>, %arg6: memref<200x128xi32, #tpu.memory_space<vmem>>, %arg7: memref<4x128xi32, #tpu.memory_space<vmem>>, %arg8: memref<128x128xf32, #tpu.memory_space<vmem>>, %arg9: memref<128x128xf32, #tpu.memory_space<vmem>>, %arg10: memref<128x128xf32, #tpu.memory_space<vmem>>, %arg11: memref<!tpu.dma_semaphore, #tpu.memory_space<semaphore_mem>>, %arg12: memref<!tpu.dma_semaphore, #tpu.memory_space<semaphore_mem>>, %arg13: memref<!tpu.dma_semaphore, #tpu.memory_space<semaphore_mem>>, %arg14: memref<!tpu.dma_semaphore, #tpu.memory_space<semaphore_mem>>) attributes {dimension_semantics = [#tpu.dimension_semantics<core_parallel>, #tpu.dimension_semantics<subcore_parallel>], iteration_bounds = array<i64: 2, 16>, scalar_prefetch = 0 : i64, scratch_operands = 10 : i64, tpu.core_type = #tpu.core_type<sc_vector_subcore>, window_params = [{transform_indices = #map}, {transform_indices = #map}, {transform_indices = #map}]} {
    %mul3A = arith.constant 2 : i32
    %mul3A_0 = arith.muli %arg1, %mul3A : i32
    %add3A = arith.addi %mul3A_0, %arg0 : i32
    %mul3A_1 = arith.constant 800 : i32
    %mul3A_2 = arith.muli %add3A, %mul3A_1 : i32
    %mul3A_3 = arith.constant 512 : i32
    %mul3A_4 = arith.muli %add3A, %mul3A_3 : i32
    "tpu.region"() ({
      %run_scoped3A = tpu.sem_alloc : memref<!tpu.dma_semaphore, #tpu.memory_space<semaphore_mem>>
      %dma_start3A = arith.constant 0 : i32
      %dma_start3A_16 = arith.constant 0 : i32
      %dma_start3A_17 = tpu.memref_slice %arg9[%dma_start3A, %dma_start3A_16] : memref<128x128xf32, #tpu.memory_space<vmem>> -> memref<88x128xf32, #tpu.memory_space<vmem>>
      %dma_start3A_18 = arith.constant 0 : i32
      %dma_start3A_19 = arith.constant 0 : i32
      %dma_start3A_20 = tpu.memref_slice %arg9[%dma_start3A_18, %dma_start3A_19] : memref<128x128xf32, #tpu.memory_space<vmem>> -> memref<88x128xf32, #tpu.memory_space<vmem>>
      tpu.enqueue_dma source(%arg2 : memref<88x128xf32, #tpu.memory_space<hbm>>) target(%dma_start3A_20 : memref<88x128xf32, #tpu.memory_space<vmem>>) target_semaphore(%run_scoped3A : memref<!tpu.dma_semaphore, #tpu.memory_space<semaphore_mem>>)
      %dma_wait3A = arith.constant 0 : i32
      %dma_wait3A_21 = arith.constant 0 : i32
      %dma_wait3A_22 = tpu.memref_slice %arg9[%dma_wait3A, %dma_wait3A_21] : memref<128x128xf32, #tpu.memory_space<vmem>> -> memref<88x128xf32, #tpu.memory_space<vmem>>
      %dma_wait3A_23 = arith.constant 0 : i32
      %dma_wait3A_24 = arith.constant 0 : i32
      %dma_wait3A_25 = tpu.memref_slice %arg9[%dma_wait3A_23, %dma_wait3A_24] : memref<128x128xf32, #tpu.memory_space<vmem>> -> memref<88x128xf32, #tpu.memory_space<vmem>>
      tpu.wait_dma2 semaphore(%run_scoped3A : memref<!tpu.dma_semaphore, #tpu.memory_space<semaphore_mem>>) src(%arg2 : memref<88x128xf32, #tpu.memory_space<hbm>>) dst(%dma_wait3A_25 : memref<88x128xf32, #tpu.memory_space<vmem>>)
      tpu.yield
    }) : () -> ()
    %scan3A = arith.constant 0 : i32
    %scan3A_5 = arith.constant 0 : i32
    %scan3A_6 = arith.constant 6 : i32
    %scan3A_7 = arith.addi %scan3A_5, %scan3A_6 : i32
    %scan3A_8 = arith.constant 1 : i32
    scf.for %scan3A_16 = %scan3A_5 to %scan3A_7 step %scan3A_8  : i32 {
      %mul3A_17 = arith.constant 16 : i32
      %mul3A_18 = arith.muli %scan3A_16, %mul3A_17 : i32
      %add3A_19 = arith.addi %arg1, %mul3A_18 : i32
      %lt3A = arith.constant 81 : i32
      %lt3A_20 = arith.cmpi slt, %add3A_19, %lt3A : i32
      %convert_element_type3A = arith.extui %lt3A_20 : i1 to i32
      %cond3A = arith.constant 0 : i32
      %cond3A_21 = arith.cmpi ne, %convert_element_type3A, %cond3A : i32
      scf.if %cond3A_21 {
        %get3A = arith.index_cast %add3A_19 : i32 to index
        %get3A_22 = arith.constant 0 : index
        %get3A_23 = tpu.vector_load %arg9[%get3A, %get3A_22] {strides = array<i32>} : memref<128x128xf32, #tpu.memory_space<vmem>>, vector<16xf32>,
        %get3A_24 = arith.index_cast %add3A_19 : i32 to index
        %get3A_25 = arith.constant 16 : index
        %get3A_26 = tpu.vector_load %arg9[%get3A_24, %get3A_25] {strides = array<i32>} : memref<128x128xf32, #tpu.memory_space<vmem>>, vector<16xf32>,
        %get3A_27 = arith.index_cast %add3A_19 : i32 to index
        %get3A_28 = arith.constant 32 : index
        %get3A_29 = tpu.vector_load %arg9[%get3A_27, %get3A_28] {strides = array<i32>} : memref<128x128xf32, #tpu.memory_space<vmem>>, vector<16xf32>,
        %get3A_30 = arith.index_cast %add3A_19 : i32 to index
        %get3A_31 = arith.constant 48 : index
        %get3A_32 = tpu.vector_load %arg9[%get3A_30, %get3A_31] {strides = array<i32>} : memref<128x128xf32, #tpu.memory_space<vmem>>, vector<16xf32>,
        %scan3A_33 = arith.constant 0 : i32
        %scan3A_34 = arith.constant 0 : i32
        %scan3A_35 = arith.constant 81 : i32
        %scan3A_36 = arith.addi %scan3A_34, %scan3A_35 : i32
        %scan3A_37 = arith.constant 1 : i32
        scf.for %scan3A_41 = %scan3A_34 to %scan3A_36 step %scan3A_37  : i32 {
          %swap3A = arith.index_cast %scan3A_41 : i32 to index
          %swap3A_42 = arith.constant 0 : index
          %swap3A_43 = tpu.vector_load %arg8[%swap3A, %swap3A_42] {strides = array<i32>} : memref<128x128xf32, #tpu.memory_space<vmem>>, vector<16xf32>,
          tpu.vector_store %arg8[%swap3A, %swap3A_42], %get3A_23 {strides = array<i32>} : memref<128x128xf32, #tpu.memory_space<vmem>>, vector<16xf32>,
          %get3A_44 = arith.index_cast %scan3A_41 : i32 to index
          %get3A_45 = arith.constant 0 : index
          %get3A_46 = tpu.vector_load %arg9[%get3A_44, %get3A_45] {strides = array<i32>} : memref<128x128xf32, #tpu.memory_space<vmem>>, vector<16xf32>,
          %swap3A_47 = arith.index_cast %scan3A_41 : i32 to index
          %swap3A_48 = arith.constant 64 : index
          %swap3A_49 = tpu.vector_load %arg8[%swap3A_47, %swap3A_48] {strides = array<i32>} : memref<128x128xf32, #tpu.memory_space<vmem>>, vector<16xf32>,
          tpu.vector_store %arg8[%swap3A_47, %swap3A_48], %get3A_46 {strides = array<i32>} : memref<128x128xf32, #tpu.memory_space<vmem>>, vector<16xf32>,
          %swap3A_50 = arith.index_cast %scan3A_41 : i32 to index
          %swap3A_51 = arith.constant 16 : index
          %swap3A_52 = tpu.vector_load %arg8[%swap3A_50, %swap3A_51] {strides = array<i32>} : memref<128x128xf32, #tpu.memory_space<vmem>>, vector<16xf32>,
          tpu.vector_store %arg8[%swap3A_50, %swap3A_51], %get3A_26 {strides = array<i32>} : memref<128x128xf32, #tpu.memory_space<vmem>>, vector<16xf32>,
          %get3A_53 = arith.index_cast %scan3A_41 : i32 to index
          %get3A_54 = arith.constant 16 : index
          %get3A_55 = tpu.vector_load %arg9[%get3A_53, %get3A_54] {strides = array<i32>} : memref<128x128xf32, #tpu.memory_space<vmem>>, vector<16xf32>,
          %swap3A_56 = arith.index_cast %scan3A_41 : i32 to index
          %swap3A_57 = arith.constant 80 : index
          %swap3A_58 = tpu.vector_load %arg8[%swap3A_56, %swap3A_57] {strides = array<i32>} : memref<128x128xf32, #tpu.memory_space<vmem>>, vector<16xf32>,
          tpu.vector_store %arg8[%swap3A_56, %swap3A_57], %get3A_55 {strides = array<i32>} : memref<128x128xf32, #tpu.memory_space<vmem>>, vector<16xf32>,
          %swap3A_59 = arith.index_cast %scan3A_41 : i32 to index
          %swap3A_60 = arith.constant 32 : index
          %swap3A_61 = tpu.vector_load %arg8[%swap3A_59, %swap3A_60] {strides = array<i32>} : memref<128x128xf32, #tpu.memory_space<vmem>>, vector<16xf32>,
          tpu.vector_store %arg8[%swap3A_59, %swap3A_60], %get3A_29 {strides = array<i32>} : memref<128x128xf32, #tpu.memory_space<vmem>>, vector<16xf32>,
          %get3A_62 = arith.index_cast %scan3A_41 : i32 to index
          %get3A_63 = arith.constant 32 : index
          %get3A_64 = tpu.vector_load %arg9[%get3A_62, %get3A_63] {strides = array<i32>} : memref<128x128xf32, #tpu.memory_space<vmem>>, vector<16xf32>,
          %swap3A_65 = arith.index_cast %scan3A_41 : i32 to index
          %swap3A_66 = arith.constant 96 : index
          %swap3A_67 = tpu.vector_load %arg8[%swap3A_65, %swap3A_66] {strides = array<i32>} : memref<128x128xf32, #tpu.memory_space<vmem>>, vector<16xf32>,
          tpu.vector_store %arg8[%swap3A_65, %swap3A_66], %get3A_64 {strides = array<i32>} : memref<128x128xf32, #tpu.memory_space<vmem>>, vector<16xf32>,
          %swap3A_68 = arith.index_cast %scan3A_41 : i32 to index
          %swap3A_69 = arith.constant 48 : index
          %swap3A_70 = tpu.vector_load %arg8[%swap3A_68, %swap3A_69] {strides = array<i32>} : memref<128x128xf32, #tpu.memory_space<vmem>>, vector<16xf32>,
          tpu.vector_store %arg8[%swap3A_68, %swap3A_69], %get3A_32 {strides = array<i32>} : memref<128x128xf32, #tpu.memory_space<vmem>>, vector<16xf32>,
          %get3A_71 = arith.index_cast %scan3A_41 : i32 to index
          %get3A_72 = arith.constant 48 : index
          %get3A_73 = tpu.vector_load %arg9[%get3A_71, %get3A_72] {strides = array<i32>} : memref<128x128xf32, #tpu.memory_space<vmem>>, vector<16xf32>,
          %swap3A_74 = arith.index_cast %scan3A_41 : i32 to index
          %swap3A_75 = arith.constant 112 : index
          %swap3A_76 = tpu.vector_load %arg8[%swap3A_74, %swap3A_75] {strides = array<i32>} : memref<128x128xf32, #tpu.memory_space<vmem>>, vector<16xf32>,
          tpu.vector_store %arg8[%swap3A_74, %swap3A_75], %get3A_73 {strides = array<i32>} : memref<128x128xf32, #tpu.memory_space<vmem>>, vector<16xf32>,
        }
        %scan3A_38 = arith.constant 81 : i32
        %mul3A_39 = arith.constant 81 : i32
        %mul3A_40 = arith.muli %add3A_19, %mul3A_39 : i32
        "tpu.region"() ({
          %run_scoped3A = tpu.sem_alloc : memref<!tpu.dma_semaphore, #tpu.memory_space<semaphore_mem>>
          %dma_start3A = arith.constant 0 : i32
          %dma_start3A_41 = arith.constant 0 : i32
          %dma_start3A_42 = tpu.memref_slice %arg8[%dma_start3A, %dma_start3A_41] : memref<128x128xf32, #tpu.memory_space<vmem>> -> memref<81x128xf32, #tpu.memory_space<vmem>>
          %dma_start3A_43 = arith.constant 0 : i32
          %dma_start3A_44 = tpu.memref_slice %arg5[%mul3A_40, %dma_start3A_43] : memref<6561x128xf32, #tpu.memory_space<vmem_shared>> -> memref<81x128xf32, #tpu.memory_space<vmem_shared>>
          %dma_start3A_45 = arith.constant 0 : i32
          %dma_start3A_46 = tpu.memref_slice %arg5[%mul3A_40, %dma_start3A_45] : memref<6561x128xf32, #tpu.memory_space<vmem_shared>> -> memref<81x128xf32, #tpu.memory_space<vmem_shared>>
          %dma_start3A_47 = arith.constant 0 : i32
          %dma_start3A_48 = arith.constant 0 : i32
          %dma_start3A_49 = tpu.memref_slice %arg8[%dma_start3A_47, %dma_start3A_48] : memref<128x128xf32, #tpu.memory_space<vmem>> -> memref<81x128xf32, #tpu.memory_space<vmem>>
          tpu.enqueue_dma source(%dma_start3A_49 : memref<81x128xf32, #tpu.memory_space<vmem>>) target(%dma_start3A_46 : memref<81x128xf32, #tpu.memory_space<vmem_shared>>) target_semaphore(%run_scoped3A : memref<!tpu.dma_semaphore, #tpu.memory_space<semaphore_mem>>)
          %dma_wait3A = arith.constant 0 : i32
          %dma_wait3A_50 = arith.constant 0 : i32
          %dma_wait3A_51 = tpu.memref_slice %arg8[%dma_wait3A, %dma_wait3A_50] : memref<128x128xf32, #tpu.memory_space<vmem>> -> memref<81x128xf32, #tpu.memory_space<vmem>>
          %dma_wait3A_52 = arith.constant 0 : i32
          %dma_wait3A_53 = tpu.memref_slice %arg5[%mul3A_40, %dma_wait3A_52] : memref<6561x128xf32, #tpu.memory_space<vmem_shared>> -> memref<81x128xf32, #tpu.memory_space<vmem_shared>>
          %dma_wait3A_54 = arith.constant 0 : i32
          %dma_wait3A_55 = tpu.memref_slice %arg5[%mul3A_40, %dma_wait3A_54] : memref<6561x128xf32, #tpu.memory_space<vmem_shared>> -> memref<81x128xf32, #tpu.memory_space<vmem_shared>>
          %dma_wait3A_56 = arith.constant 0 : i32
          %dma_wait3A_57 = arith.constant 0 : i32
          %dma_wait3A_58 = tpu.memref_slice %arg8[%dma_wait3A_56, %dma_wait3A_57] : memref<128x128xf32, #tpu.memory_space<vmem>> -> memref<81x128xf32, #tpu.memory_space<vmem>>
          tpu.wait_dma2 semaphore(%run_scoped3A : memref<!tpu.dma_semaphore, #tpu.memory_space<semaphore_mem>>) src(%dma_wait3A_58 : memref<81x128xf32, #tpu.memory_space<vmem>>) dst(%dma_wait3A_55 : memref<81x128xf32, #tpu.memory_space<vmem_shared>>)
          tpu.yield
        }) : () -> ()
      } else {
      }
    }
    %scan3A_9 = arith.constant 6 : i32
    %barrier3A = arith.constant 0 : index
    tpu.barrier barrier_id(%barrier3A)
    %iota3A = tpu.iota {dimensions = array<i32: 0>} : vector<16xi32>
    %scan3A_10 = arith.constant 0 : i32
    %scan3A_11 = arith.constant 0 : i32
    %scan3A_12 = arith.constant 4 : i32
    %scan3A_13 = arith.addi %scan3A_11, %scan3A_12 : i32
    %scan3A_14 = arith.constant 1 : i32
    scf.for %scan3A_16 = %scan3A_11 to %scan3A_13 step %scan3A_14  : i32 {
      %mul3A_17 = arith.constant 200 : i32
      %mul3A_18 = arith.muli %scan3A_16, %mul3A_17 : i32
      %add3A_19 = arith.addi %mul3A_2, %mul3A_18 : i32
      "tpu.region"() ({
        %run_scoped3A = tpu.sem_alloc : memref<!tpu.dma_semaphore, #tpu.memory_space<semaphore_mem>>
        %dma_start3A_873 = arith.constant 0 : i32
        %dma_start3A_874 = tpu.memref_slice %arg3[%add3A_19, %dma_start3A_873] : memref<25600x128xi32, #tpu.memory_space<hbm>> -> memref<200x128xi32, #tpu.memory_space<hbm>>
        %dma_start3A_875 = arith.constant 0 : i32
        %dma_start3A_876 = tpu.memref_slice %arg3[%add3A_19, %dma_start3A_875] : memref<25600x128xi32, #tpu.memory_space<hbm>> -> memref<200x128xi32, #tpu.memory_space<hbm>>
        tpu.enqueue_dma source(%dma_start3A_876 : memref<200x128xi32, #tpu.memory_space<hbm>>) target(%arg6 : memref<200x128xi32, #tpu.memory_space<vmem>>) target_semaphore(%run_scoped3A : memref<!tpu.dma_semaphore, #tpu.memory_space<semaphore_mem>>)
        %dma_wait3A_877 = arith.constant 0 : i32
        %dma_wait3A_878 = tpu.memref_slice %arg3[%add3A_19, %dma_wait3A_877] : memref<25600x128xi32, #tpu.memory_space<hbm>> -> memref<200x128xi32, #tpu.memory_space<hbm>>
        %dma_wait3A_879 = arith.constant 0 : i32
        %dma_wait3A_880 = tpu.memref_slice %arg3[%add3A_19, %dma_wait3A_879] : memref<25600x128xi32, #tpu.memory_space<hbm>> -> memref<200x128xi32, #tpu.memory_space<hbm>>
        tpu.wait_dma2 semaphore(%run_scoped3A : memref<!tpu.dma_semaphore, #tpu.memory_space<semaphore_mem>>) src(%dma_wait3A_880 : memref<200x128xi32, #tpu.memory_space<hbm>>) dst(%arg6 : memref<200x128xi32, #tpu.memory_space<vmem>>)
        tpu.yield
      }) : () -> ()
      %add3A_20 = arith.constant 0 : i32
      %add3A_21 = vector.broadcast %add3A_20 : i32 to vector<16xi32>
      %add3A_22 = arith.addi %add3A_21, %iota3A : vector<16xi32>
      %mul3A_23 = arith.constant 200 : i32
      %mul3A_24 = vector.broadcast %mul3A_23 : i32 to vector<16xi32>
      %mul3A_25 = arith.muli %add3A_22, %mul3A_24 : vector<16xi32>
      %add3A_26 = arith.constant 0 : i32
      %add3A_27 = vector.broadcast %add3A_26 : i32 to vector<16xi32>
      %add3A_28 = arith.addi %mul3A_25, %add3A_27 : vector<16xi32>
      %add3A_29 = arith.constant 1 : i32
      %add3A_30 = vector.broadcast %add3A_29 : i32 to vector<16xi32>
      %add3A_31 = arith.addi %add3A_28, %add3A_30 : vector<16xi32>
      %shift_right_logical3A = arith.constant 7 : i32
      %shift_right_logical3A_32 = vector.broadcast %shift_right_logical3A : i32 to vector<16xi32>
      %shift_right_logical3A_33 = arith.shrui %add3A_28, %shift_right_logical3A_32 : vector<16xi32>
      %and3A = arith.constant 127 : i32
      %and3A_34 = vector.broadcast %and3A : i32 to vector<16xi32>
      %and3A_35 = arith.andi %add3A_28, %and3A_34 : vector<16xi32>
      %gather3A = tpu.vector_load_idx %arg6[%shift_right_logical3A_33, %and3A_35] : memref<200x128xi32, #tpu.memory_space<vmem>>[vector<16xi32>, vector<16xi32>], vector<16xi32>,
      %shift_right_logical3A_36 = arith.constant 7 : i32
      %shift_right_logical3A_37 = vector.broadcast %shift_right_logical3A_36 : i32 to vector<16xi32>
      %shift_right_logical3A_38 = arith.shrui %add3A_31, %shift_right_logical3A_37 : vector<16xi32>
      %and3A_39 = arith.constant 127 : i32
      %and3A_40 = vector.broadcast %and3A_39 : i32 to vector<16xi32>
      %and3A_41 = arith.andi %add3A_31, %and3A_40 : vector<16xi32>
      %gather3A_42 = tpu.vector_load_idx %arg6[%shift_right_logical3A_38, %and3A_41] : memref<200x128xi32, #tpu.memory_space<vmem>>[vector<16xi32>, vector<16xi32>], vector<16xi32>,
      %mul3A_43 = arith.constant 81 : i32
      %mul3A_44 = vector.broadcast %mul3A_43 : i32 to vector<16xi32>
      %mul3A_45 = arith.muli %gather3A, %mul3A_44 : vector<16xi32>
      %add3A_46 = arith.addi %mul3A_45, %gather3A_42 : vector<16xi32>
      %swap3A = arith.constant 0 : i32
      %swap3A_47 = arith.index_cast %swap3A : i32 to index
      %swap3A_48 = arith.constant 0 : index
      %swap3A_49 = tpu.vector_load %arg7[%swap3A_47, %swap3A_48] {strides = array<i32>} : memref<4x128xi32, #tpu.memory_space<vmem>>, vector<16xi32>,
      tpu.vector_store %arg7[%swap3A_47, %swap3A_48], %add3A_46 {strides = array<i32>} : memref<4x128xi32, #tpu.memory_space<vmem>>, vector<16xi32>,
      %add3A_50 = arith.constant 16 : i32
      %add3A_51 = vector.broadcast %add3A_50 : i32 to vector<16xi32>
      %add3A_52 = arith.addi %add3A_51, %iota3A : vector<16xi32>
      %mul3A_53 = arith.constant 200 : i32
      %mul3A_54 = vector.broadcast %mul3A_53 : i32 to vector<16xi32>
      %mul3A_55 = arith.muli %add3A_52, %mul3A_54 : vector<16xi32>
      %add3A_56 = arith.constant 0 : i32
      %add3A_57 = vector.broadcast %add3A_56 : i32 to vector<16xi32>
      %add3A_58 = arith.addi %mul3A_55, %add3A_57 : vector<16xi32>
      %add3A_59 = arith.constant 1 : i32
      %add3A_60 = vector.broadcast %add3A_59 : i32 to vector<16xi32>
      %add3A_61 = arith.addi %add3A_58, %add3A_60 : vector<16xi32>
      %shift_right_logical3A_62 = arith.constant 7 : i32
      %shift_right_logical3A_63 = vector.broadcast %shift_right_logical3A_62 : i32 to vector<16xi32>
      %shift_right_logical3A_64 = arith.shrui %add3A_58, %shift_right_logical3A_63 : vector<16xi32>
      %and3A_65 = arith.constant 127 : i32
      %and3A_66 = vector.broadcast %and3A_65 : i32 to vector<16xi32>
      %and3A_67 = arith.andi %add3A_58, %and3A_66 : vector<16xi32>
      %gather3A_68 = tpu.vector_load_idx %arg6[%shift_right_logical3A_64, %and3A_67] : memref<200x128xi32, #tpu.memory_space<vmem>>[vector<16xi32>, vector<16xi32>], vector<16xi32>,
      %shift_right_logical3A_69 = arith.constant 7 : i32
      %shift_right_logical3A_70 = vector.broadcast %shift_right_logical3A_69 : i32 to vector<16xi32>
      %shift_right_logical3A_71 = arith.shrui %add3A_61, %shift_right_logical3A_70 : vector<16xi32>
      %and3A_72 = arith.constant 127 : i32
      %and3A_73 = vector.broadcast %and3A_72 : i32 to vector<16xi32>
      %and3A_74 = arith.andi %add3A_61, %and3A_73 : vector<16xi32>
      %gather3A_75 = tpu.vector_load_idx %arg6[%shift_right_logical3A_71, %and3A_74] : memref<200x128xi32, #tpu.memory_space<vmem>>[vector<16xi32>, vector<16xi32>], vector<16xi32>,
      %mul3A_76 = arith.constant 81 : i32
      %mul3A_77 = vector.broadcast %mul3A_76 : i32 to vector<16xi32>
      %mul3A_78 = arith.muli %gather3A_68, %mul3A_77 : vector<16xi32>
      %add3A_79 = arith.addi %mul3A_78, %gather3A_75 : vector<16xi32>
      %swap3A_80 = arith.constant 0 : i32
      %swap3A_81 = arith.index_cast %swap3A_80 : i32 to index
      %swap3A_82 = arith.constant 16 : index
      %swap3A_83 = tpu.vector_load %arg7[%swap3A_81, %swap3A_82] {strides = array<i32>} : memref<4x128xi32, #tpu.memory_space<vmem>>, vector<16xi32>,
      tpu.vector_store %arg7[%swap3A_81, %swap3A_82], %add3A_79 {strides = array<i32>} : memref<4x128xi32, #tpu.memory_space<vmem>>, vector<16xi32>,
      %add3A_84 = arith.constant 32 : i32
      %add3A_85 = vector.broadcast %add3A_84 : i32 to vector<16xi32>
      %add3A_86 = arith.addi %add3A_85, %iota3A : vector<16xi32>
      %mul3A_87 = arith.constant 200 : i32
      %mul3A_88 = vector.broadcast %mul3A_87 : i32 to vector<16xi32>
      %mul3A_89 = arith.muli %add3A_86, %mul3A_88 : vector<16xi32>
      %add3A_90 = arith.constant 0 : i32
      %add3A_91 = vector.broadcast %add3A_90 : i32 to vector<16xi32>
      %add3A_92 = arith.addi %mul3A_89, %add3A_91 : vector<16xi32>
      %add3A_93 = arith.constant 1 : i32
      %add3A_94 = vector.broadcast %add3A_93 : i32 to vector<16xi32>
      %add3A_95 = arith.addi %add3A_92, %add3A_94 : vector<16xi32>
      %shift_right_logical3A_96 = arith.constant 7 : i32
      %shift_right_logical3A_97 = vector.broadcast %shift_right_logical3A_96 : i32 to vector<16xi32>
      %shift_right_logical3A_98 = arith.shrui %add3A_92, %shift_right_logical3A_97 : vector<16xi32>
      %and3A_99 = arith.constant 127 : i32
      %and3A_100 = vector.broadcast %and3A_99 : i32 to vector<16xi32>
      %and3A_101 = arith.andi %add3A_92, %and3A_100 : vector<16xi32>
      %gather3A_102 = tpu.vector_load_idx %arg6[%shift_right_logical3A_98, %and3A_101] : memref<200x128xi32, #tpu.memory_space<vmem>>[vector<16xi32>, vector<16xi32>], vector<16xi32>,
      %shift_right_logical3A_103 = arith.constant 7 : i32
      %shift_right_logical3A_104 = vector.broadcast %shift_right_logical3A_103 : i32 to vector<16xi32>
      %shift_right_logical3A_105 = arith.shrui %add3A_95, %shift_right_logical3A_104 : vector<16xi32>
      %and3A_106 = arith.constant 127 : i32
      %and3A_107 = vector.broadcast %and3A_106 : i32 to vector<16xi32>
      %and3A_108 = arith.andi %add3A_95, %and3A_107 : vector<16xi32>
      %gather3A_109 = tpu.vector_load_idx %arg6[%shift_right_logical3A_105, %and3A_108] : memref<200x128xi32, #tpu.memory_space<vmem>>[vector<16xi32>, vector<16xi32>], vector<16xi32>,
      %mul3A_110 = arith.constant 81 : i32
      %mul3A_111 = vector.broadcast %mul3A_110 : i32 to vector<16xi32>
      %mul3A_112 = arith.muli %gather3A_102, %mul3A_111 : vector<16xi32>
      %add3A_113 = arith.addi %mul3A_112, %gather3A_109 : vector<16xi32>
      %swap3A_114 = arith.constant 0 : i32
      %swap3A_115 = arith.index_cast %swap3A_114 : i32 to index
      %swap3A_116 = arith.constant 32 : index
      %swap3A_117 = tpu.vector_load %arg7[%swap3A_115, %swap3A_116] {strides = array<i32>} : memref<4x128xi32, #tpu.memory_space<vmem>>, vector<16xi32>,
      tpu.vector_store %arg7[%swap3A_115, %swap3A_116], %add3A_113 {strides = array<i32>} : memref<4x128xi32, #tpu.memory_space<vmem>>, vector<16xi32>,
      %add3A_118 = arith.constant 48 : i32
      %add3A_119 = vector.broadcast %add3A_118 : i32 to vector<16xi32>
      %add3A_120 = arith.addi %add3A_119, %iota3A : vector<16xi32>
      %mul3A_121 = arith.constant 200 : i32
      %mul3A_122 = vector.broadcast %mul3A_121 : i32 to vector<16xi32>
      %mul3A_123 = arith.muli %add3A_120, %mul3A_122 : vector<16xi32>
      %add3A_124 = arith.constant 0 : i32
      %add3A_125 = vector.broadcast %add3A_124 : i32 to vector<16xi32>
      %add3A_126 = arith.addi %mul3A_123, %add3A_125 : vector<16xi32>
      %add3A_127 = arith.constant 1 : i32
      %add3A_128 = vector.broadcast %add3A_127 : i32 to vector<16xi32>
      %add3A_129 = arith.addi %add3A_126, %add3A_128 : vector<16xi32>
      %shift_right_logical3A_130 = arith.constant 7 : i32
      %shift_right_logical3A_131 = vector.broadcast %shift_right_logical3A_130 : i32 to vector<16xi32>
      %shift_right_logical3A_132 = arith.shrui %add3A_126, %shift_right_logical3A_131 : vector<16xi32>
      %and3A_133 = arith.constant 127 : i32
      %and3A_134 = vector.broadcast %and3A_133 : i32 to vector<16xi32>
      %and3A_135 = arith.andi %add3A_126, %and3A_134 : vector<16xi32>
      %gather3A_136 = tpu.vector_load_idx %arg6[%shift_right_logical3A_132, %and3A_135] : memref<200x128xi32, #tpu.memory_space<vmem>>[vector<16xi32>, vector<16xi32>], vector<16xi32>,
      %shift_right_logical3A_137 = arith.constant 7 : i32
      %shift_right_logical3A_138 = vector.broadcast %shift_right_logical3A_137 : i32 to vector<16xi32>
      %shift_right_logical3A_139 = arith.shrui %add3A_129, %shift_right_logical3A_138 : vector<16xi32>
      %and3A_140 = arith.constant 127 : i32
      %and3A_141 = vector.broadcast %and3A_140 : i32 to vector<16xi32>
      %and3A_142 = arith.andi %add3A_129, %and3A_141 : vector<16xi32>
      %gather3A_143 = tpu.vector_load_idx %arg6[%shift_right_logical3A_139, %and3A_142] : memref<200x128xi32, #tpu.memory_space<vmem>>[vector<16xi32>, vector<16xi32>], vector<16xi32>,
      %mul3A_144 = arith.constant 81 : i32
      %mul3A_145 = vector.broadcast %mul3A_144 : i32 to vector<16xi32>
      %mul3A_146 = arith.muli %gather3A_136, %mul3A_145 : vector<16xi32>
      %add3A_147 = arith.addi %mul3A_146, %gather3A_143 : vector<16xi32>
      %swap3A_148 = arith.constant 0 : i32
      %swap3A_149 = arith.index_cast %swap3A_148 : i32 to index
      %swap3A_150 = arith.constant 48 : index
      %swap3A_151 = tpu.vector_load %arg7[%swap3A_149, %swap3A_150] {strides = array<i32>} : memref<4x128xi32, #tpu.memory_space<vmem>>, vector<16xi32>,
      tpu.vector_store %arg7[%swap3A_149, %swap3A_150], %add3A_147 {strides = array<i32>} : memref<4x128xi32, #tpu.memory_space<vmem>>, vector<16xi32>,
      %add3A_152 = arith.constant 64 : i32
      %add3A_153 = vector.broadcast %add3A_152 : i32 to vector<16xi32>
      %add3A_154 = arith.addi %add3A_153, %iota3A : vector<16xi32>
      %mul3A_155 = arith.constant 200 : i32
      %mul3A_156 = vector.broadcast %mul3A_155 : i32 to vector<16xi32>
      %mul3A_157 = arith.muli %add3A_154, %mul3A_156 : vector<16xi32>
      %add3A_158 = arith.constant 0 : i32
      %add3A_159 = vector.broadcast %add3A_158 : i32 to vector<16xi32>
      %add3A_160 = arith.addi %mul3A_157, %add3A_159 : vector<16xi32>
      %add3A_161 = arith.constant 1 : i32
      %add3A_162 = vector.broadcast %add3A_161 : i32 to vector<16xi32>
      %add3A_163 = arith.addi %add3A_160, %add3A_162 : vector<16xi32>
      %shift_right_logical3A_164 = arith.constant 7 : i32
      %shift_right_logical3A_165 = vector.broadcast %shift_right_logical3A_164 : i32 to vector<16xi32>
      %shift_right_logical3A_166 = arith.shrui %add3A_160, %shift_right_logical3A_165 : vector<16xi32>
      %and3A_167 = arith.constant 127 : i32
      %and3A_168 = vector.broadcast %and3A_167 : i32 to vector<16xi32>
      %and3A_169 = arith.andi %add3A_160, %and3A_168 : vector<16xi32>
      %gather3A_170 = tpu.vector_load_idx %arg6[%shift_right_logical3A_166, %and3A_169] : memref<200x128xi32, #tpu.memory_space<vmem>>[vector<16xi32>, vector<16xi32>], vector<16xi32>,
      %shift_right_logical3A_171 = arith.constant 7 : i32
      %shift_right_logical3A_172 = vector.broadcast %shift_right_logical3A_171 : i32 to vector<16xi32>
      %shift_right_logical3A_173 = arith.shrui %add3A_163, %shift_right_logical3A_172 : vector<16xi32>
      %and3A_174 = arith.constant 127 : i32
      %and3A_175 = vector.broadcast %and3A_174 : i32 to vector<16xi32>
      %and3A_176 = arith.andi %add3A_163, %and3A_175 : vector<16xi32>
      %gather3A_177 = tpu.vector_load_idx %arg6[%shift_right_logical3A_173, %and3A_176] : memref<200x128xi32, #tpu.memory_space<vmem>>[vector<16xi32>, vector<16xi32>], vector<16xi32>,
      %mul3A_178 = arith.constant 81 : i32
      %mul3A_179 = vector.broadcast %mul3A_178 : i32 to vector<16xi32>
      %mul3A_180 = arith.muli %gather3A_170, %mul3A_179 : vector<16xi32>
      %add3A_181 = arith.addi %mul3A_180, %gather3A_177 : vector<16xi32>
      %swap3A_182 = arith.constant 0 : i32
      %swap3A_183 = arith.index_cast %swap3A_182 : i32 to index
      %swap3A_184 = arith.constant 64 : index
      %swap3A_185 = tpu.vector_load %arg7[%swap3A_183, %swap3A_184] {strides = array<i32>} : memref<4x128xi32, #tpu.memory_space<vmem>>, vector<16xi32>,
      tpu.vector_store %arg7[%swap3A_183, %swap3A_184], %add3A_181 {strides = array<i32>} : memref<4x128xi32, #tpu.memory_space<vmem>>, vector<16xi32>,
      %add3A_186 = arith.constant 80 : i32
      %add3A_187 = vector.broadcast %add3A_186 : i32 to vector<16xi32>
      %add3A_188 = arith.addi %add3A_187, %iota3A : vector<16xi32>
      %mul3A_189 = arith.constant 200 : i32
      %mul3A_190 = vector.broadcast %mul3A_189 : i32 to vector<16xi32>
      %mul3A_191 = arith.muli %add3A_188, %mul3A_190 : vector<16xi32>
      %add3A_192 = arith.constant 0 : i32
      %add3A_193 = vector.broadcast %add3A_192 : i32 to vector<16xi32>
      %add3A_194 = arith.addi %mul3A_191, %add3A_193 : vector<16xi32>
      %add3A_195 = arith.constant 1 : i32
      %add3A_196 = vector.broadcast %add3A_195 : i32 to vector<16xi32>
      %add3A_197 = arith.addi %add3A_194, %add3A_196 : vector<16xi32>
      %shift_right_logical3A_198 = arith.constant 7 : i32
      %shift_right_logical3A_199 = vector.broadcast %shift_right_logical3A_198 : i32 to vector<16xi32>
      %shift_right_logical3A_200 = arith.shrui %add3A_194, %shift_right_logical3A_199 : vector<16xi32>
      %and3A_201 = arith.constant 127 : i32
      %and3A_202 = vector.broadcast %and3A_201 : i32 to vector<16xi32>
      %and3A_203 = arith.andi %add3A_194, %and3A_202 : vector<16xi32>
      %gather3A_204 = tpu.vector_load_idx %arg6[%shift_right_logical3A_200, %and3A_203] : memref<200x128xi32, #tpu.memory_space<vmem>>[vector<16xi32>, vector<16xi32>], vector<16xi32>,
      %shift_right_logical3A_205 = arith.constant 7 : i32
      %shift_right_logical3A_206 = vector.broadcast %shift_right_logical3A_205 : i32 to vector<16xi32>
      %shift_right_logical3A_207 = arith.shrui %add3A_197, %shift_right_logical3A_206 : vector<16xi32>
      %and3A_208 = arith.constant 127 : i32
      %and3A_209 = vector.broadcast %and3A_208 : i32 to vector<16xi32>
      %and3A_210 = arith.andi %add3A_197, %and3A_209 : vector<16xi32>
      %gather3A_211 = tpu.vector_load_idx %arg6[%shift_right_logical3A_207, %and3A_210] : memref<200x128xi32, #tpu.memory_space<vmem>>[vector<16xi32>, vector<16xi32>], vector<16xi32>,
      %mul3A_212 = arith.constant 81 : i32
      %mul3A_213 = vector.broadcast %mul3A_212 : i32 to vector<16xi32>
      %mul3A_214 = arith.muli %gather3A_204, %mul3A_213 : vector<16xi32>
      %add3A_215 = arith.addi %mul3A_214, %gather3A_211 : vector<16xi32>
      %swap3A_216 = arith.constant 0 : i32
      %swap3A_217 = arith.index_cast %swap3A_216 : i32 to index
      %swap3A_218 = arith.constant 80 : index
      %swap3A_219 = tpu.vector_load %arg7[%swap3A_217, %swap3A_218] {strides = array<i32>} : memref<4x128xi32, #tpu.memory_space<vmem>>, vector<16xi32>,
      tpu.vector_store %arg7[%swap3A_217, %swap3A_218], %add3A_215 {strides = array<i32>} : memref<4x128xi32, #tpu.memory_space<vmem>>, vector<16xi32>,
      %add3A_220 = arith.constant 96 : i32
      %add3A_221 = vector.broadcast %add3A_220 : i32 to vector<16xi32>
      %add3A_222 = arith.addi %add3A_221, %iota3A : vector<16xi32>
      %mul3A_223 = arith.constant 200 : i32
      %mul3A_224 = vector.broadcast %mul3A_223 : i32 to vector<16xi32>
      %mul3A_225 = arith.muli %add3A_222, %mul3A_224 : vector<16xi32>
      %add3A_226 = arith.constant 0 : i32
      %add3A_227 = vector.broadcast %add3A_226 : i32 to vector<16xi32>
      %add3A_228 = arith.addi %mul3A_225, %add3A_227 : vector<16xi32>
      %add3A_229 = arith.constant 1 : i32
      %add3A_230 = vector.broadcast %add3A_229 : i32 to vector<16xi32>
      %add3A_231 = arith.addi %add3A_228, %add3A_230 : vector<16xi32>
      %shift_right_logical3A_232 = arith.constant 7 : i32
      %shift_right_logical3A_233 = vector.broadcast %shift_right_logical3A_232 : i32 to vector<16xi32>
      %shift_right_logical3A_234 = arith.shrui %add3A_228, %shift_right_logical3A_233 : vector<16xi32>
      %and3A_235 = arith.constant 127 : i32
      %and3A_236 = vector.broadcast %and3A_235 : i32 to vector<16xi32>
      %and3A_237 = arith.andi %add3A_228, %and3A_236 : vector<16xi32>
      %gather3A_238 = tpu.vector_load_idx %arg6[%shift_right_logical3A_234, %and3A_237] : memref<200x128xi32, #tpu.memory_space<vmem>>[vector<16xi32>, vector<16xi32>], vector<16xi32>,
      %shift_right_logical3A_239 = arith.constant 7 : i32
      %shift_right_logical3A_240 = vector.broadcast %shift_right_logical3A_239 : i32 to vector<16xi32>
      %shift_right_logical3A_241 = arith.shrui %add3A_231, %shift_right_logical3A_240 : vector<16xi32>
      %and3A_242 = arith.constant 127 : i32
      %and3A_243 = vector.broadcast %and3A_242 : i32 to vector<16xi32>
      %and3A_244 = arith.andi %add3A_231, %and3A_243 : vector<16xi32>
      %gather3A_245 = tpu.vector_load_idx %arg6[%shift_right_logical3A_241, %and3A_244] : memref<200x128xi32, #tpu.memory_space<vmem>>[vector<16xi32>, vector<16xi32>], vector<16xi32>,
      %mul3A_246 = arith.constant 81 : i32
      %mul3A_247 = vector.broadcast %mul3A_246 : i32 to vector<16xi32>
      %mul3A_248 = arith.muli %gather3A_238, %mul3A_247 : vector<16xi32>
      %add3A_249 = arith.addi %mul3A_248, %gather3A_245 : vector<16xi32>
      %swap3A_250 = arith.constant 0 : i32
      %swap3A_251 = arith.index_cast %swap3A_250 : i32 to index
      %swap3A_252 = arith.constant 96 : index
      %swap3A_253 = tpu.vector_load %arg7[%swap3A_251, %swap3A_252] {strides = array<i32>} : memref<4x128xi32, #tpu.memory_space<vmem>>, vector<16xi32>,
      tpu.vector_store %arg7[%swap3A_251, %swap3A_252], %add3A_249 {strides = array<i32>} : memref<4x128xi32, #tpu.memory_space<vmem>>, vector<16xi32>,
      %add3A_254 = arith.constant 112 : i32
      %add3A_255 = vector.broadcast %add3A_254 : i32 to vector<16xi32>
      %add3A_256 = arith.addi %add3A_255, %iota3A : vector<16xi32>
      %mul3A_257 = arith.constant 200 : i32
      %mul3A_258 = vector.broadcast %mul3A_257 : i32 to vector<16xi32>
      %mul3A_259 = arith.muli %add3A_256, %mul3A_258 : vector<16xi32>
      %add3A_260 = arith.constant 0 : i32
      %add3A_261 = vector.broadcast %add3A_260 : i32 to vector<16xi32>
      %add3A_262 = arith.addi %mul3A_259, %add3A_261 : vector<16xi32>
      %add3A_263 = arith.constant 1 : i32
      %add3A_264 = vector.broadcast %add3A_263 : i32 to vector<16xi32>
      %add3A_265 = arith.addi %add3A_262, %add3A_264 : vector<16xi32>
      %shift_right_logical3A_266 = arith.constant 7 : i32
      %shift_right_logical3A_267 = vector.broadcast %shift_right_logical3A_266 : i32 to vector<16xi32>
      %shift_right_logical3A_268 = arith.shrui %add3A_262, %shift_right_logical3A_267 : vector<16xi32>
      %and3A_269 = arith.constant 127 : i32
      %and3A_270 = vector.broadcast %and3A_269 : i32 to vector<16xi32>
      %and3A_271 = arith.andi %add3A_262, %and3A_270 : vector<16xi32>
      %gather3A_272 = tpu.vector_load_idx %arg6[%shift_right_logical3A_268, %and3A_271] : memref<200x128xi32, #tpu.memory_space<vmem>>[vector<16xi32>, vector<16xi32>], vector<16xi32>,
      %shift_right_logical3A_273 = arith.constant 7 : i32
      %shift_right_logical3A_274 = vector.broadcast %shift_right_logical3A_273 : i32 to vector<16xi32>
      %shift_right_logical3A_275 = arith.shrui %add3A_265, %shift_right_logical3A_274 : vector<16xi32>
      %and3A_276 = arith.constant 127 : i32
      %and3A_277 = vector.broadcast %and3A_276 : i32 to vector<16xi32>
      %and3A_278 = arith.andi %add3A_265, %and3A_277 : vector<16xi32>
      %gather3A_279 = tpu.vector_load_idx %arg6[%shift_right_logical3A_275, %and3A_278] : memref<200x128xi32, #tpu.memory_space<vmem>>[vector<16xi32>, vector<16xi32>], vector<16xi32>,
      %mul3A_280 = arith.constant 81 : i32
      %mul3A_281 = vector.broadcast %mul3A_280 : i32 to vector<16xi32>
      %mul3A_282 = arith.muli %gather3A_272, %mul3A_281 : vector<16xi32>
      %add3A_283 = arith.addi %mul3A_282, %gather3A_279 : vector<16xi32>
      %swap3A_284 = arith.constant 0 : i32
      %swap3A_285 = arith.index_cast %swap3A_284 : i32 to index
      %swap3A_286 = arith.constant 112 : index
      %swap3A_287 = tpu.vector_load %arg7[%swap3A_285, %swap3A_286] {strides = array<i32>} : memref<4x128xi32, #tpu.memory_space<vmem>>, vector<16xi32>,
      tpu.vector_store %arg7[%swap3A_285, %swap3A_286], %add3A_283 {strides = array<i32>} : memref<4x128xi32, #tpu.memory_space<vmem>>, vector<16xi32>,
      %add3A_288 = arith.constant 0 : i32
      %add3A_289 = vector.broadcast %add3A_288 : i32 to vector<16xi32>
      %add3A_290 = arith.addi %add3A_289, %iota3A : vector<16xi32>
      %mul3A_291 = arith.constant 200 : i32
      %mul3A_292 = vector.broadcast %mul3A_291 : i32 to vector<16xi32>
      %mul3A_293 = arith.muli %add3A_290, %mul3A_292 : vector<16xi32>
      %add3A_294 = arith.constant 2 : i32
      %add3A_295 = vector.broadcast %add3A_294 : i32 to vector<16xi32>
      %add3A_296 = arith.addi %mul3A_293, %add3A_295 : vector<16xi32>
      %add3A_297 = arith.constant 1 : i32
      %add3A_298 = vector.broadcast %add3A_297 : i32 to vector<16xi32>
      %add3A_299 = arith.addi %add3A_296, %add3A_298 : vector<16xi32>
      %shift_right_logical3A_300 = arith.constant 7 : i32
      %shift_right_logical3A_301 = vector.broadcast %shift_right_logical3A_300 : i32 to vector<16xi32>
      %shift_right_logical3A_302 = arith.shrui %add3A_296, %shift_right_logical3A_301 : vector<16xi32>
      %and3A_303 = arith.constant 127 : i32
      %and3A_304 = vector.broadcast %and3A_303 : i32 to vector<16xi32>
      %and3A_305 = arith.andi %add3A_296, %and3A_304 : vector<16xi32>
      %gather3A_306 = tpu.vector_load_idx %arg6[%shift_right_logical3A_302, %and3A_305] : memref<200x128xi32, #tpu.memory_space<vmem>>[vector<16xi32>, vector<16xi32>], vector<16xi32>,
      %shift_right_logical3A_307 = arith.constant 7 : i32
      %shift_right_logical3A_308 = vector.broadcast %shift_right_logical3A_307 : i32 to vector<16xi32>
      %shift_right_logical3A_309 = arith.shrui %add3A_299, %shift_right_logical3A_308 : vector<16xi32>
      %and3A_310 = arith.constant 127 : i32
      %and3A_311 = vector.broadcast %and3A_310 : i32 to vector<16xi32>
      %and3A_312 = arith.andi %add3A_299, %and3A_311 : vector<16xi32>
      %gather3A_313 = tpu.vector_load_idx %arg6[%shift_right_logical3A_309, %and3A_312] : memref<200x128xi32, #tpu.memory_space<vmem>>[vector<16xi32>, vector<16xi32>], vector<16xi32>,
      %mul3A_314 = arith.constant 81 : i32
      %mul3A_315 = vector.broadcast %mul3A_314 : i32 to vector<16xi32>
      %mul3A_316 = arith.muli %gather3A_306, %mul3A_315 : vector<16xi32>
      %add3A_317 = arith.addi %mul3A_316, %gather3A_313 : vector<16xi32>
      %swap3A_318 = arith.constant 1 : i32
      %swap3A_319 = arith.index_cast %swap3A_318 : i32 to index
      %swap3A_320 = arith.constant 0 : index
      %swap3A_321 = tpu.vector_load %arg7[%swap3A_319, %swap3A_320] {strides = array<i32>} : memref<4x128xi32, #tpu.memory_space<vmem>>, vector<16xi32>,
      tpu.vector_store %arg7[%swap3A_319, %swap3A_320], %add3A_317 {strides = array<i32>} : memref<4x128xi32, #tpu.memory_space<vmem>>, vector<16xi32>,
      %add3A_322 = arith.constant 16 : i32
      %add3A_323 = vector.broadcast %add3A_322 : i32 to vector<16xi32>
      %add3A_324 = arith.addi %add3A_323, %iota3A : vector<16xi32>
      %mul3A_325 = arith.constant 200 : i32
      %mul3A_326 = vector.broadcast %mul3A_325 : i32 to vector<16xi32>
      %mul3A_327 = arith.muli %add3A_324, %mul3A_326 : vector<16xi32>
      %add3A_328 = arith.constant 2 : i32
      %add3A_329 = vector.broadcast %add3A_328 : i32 to vector<16xi32>
      %add3A_330 = arith.addi %mul3A_327, %add3A_329 : vector<16xi32>
      %add3A_331 = arith.constant 1 : i32
      %add3A_332 = vector.broadcast %add3A_331 : i32 to vector<16xi32>
      %add3A_333 = arith.addi %add3A_330, %add3A_332 : vector<16xi32>
      %shift_right_logical3A_334 = arith.constant 7 : i32
      %shift_right_logical3A_335 = vector.broadcast %shift_right_logical3A_334 : i32 to vector<16xi32>
      %shift_right_logical3A_336 = arith.shrui %add3A_330, %shift_right_logical3A_335 : vector<16xi32>
      %and3A_337 = arith.constant 127 : i32
      %and3A_338 = vector.broadcast %and3A_337 : i32 to vector<16xi32>
      %and3A_339 = arith.andi %add3A_330, %and3A_338 : vector<16xi32>
      %gather3A_340 = tpu.vector_load_idx %arg6[%shift_right_logical3A_336, %and3A_339] : memref<200x128xi32, #tpu.memory_space<vmem>>[vector<16xi32>, vector<16xi32>], vector<16xi32>,
      %shift_right_logical3A_341 = arith.constant 7 : i32
      %shift_right_logical3A_342 = vector.broadcast %shift_right_logical3A_341 : i32 to vector<16xi32>
      %shift_right_logical3A_343 = arith.shrui %add3A_333, %shift_right_logical3A_342 : vector<16xi32>
      %and3A_344 = arith.constant 127 : i32
      %and3A_345 = vector.broadcast %and3A_344 : i32 to vector<16xi32>
      %and3A_346 = arith.andi %add3A_333, %and3A_345 : vector<16xi32>
      %gather3A_347 = tpu.vector_load_idx %arg6[%shift_right_logical3A_343, %and3A_346] : memref<200x128xi32, #tpu.memory_space<vmem>>[vector<16xi32>, vector<16xi32>], vector<16xi32>,
      %mul3A_348 = arith.constant 81 : i32
      %mul3A_349 = vector.broadcast %mul3A_348 : i32 to vector<16xi32>
      %mul3A_350 = arith.muli %gather3A_340, %mul3A_349 : vector<16xi32>
      %add3A_351 = arith.addi %mul3A_350, %gather3A_347 : vector<16xi32>
      %swap3A_352 = arith.constant 1 : i32
      %swap3A_353 = arith.index_cast %swap3A_352 : i32 to index
      %swap3A_354 = arith.constant 16 : index
      %swap3A_355 = tpu.vector_load %arg7[%swap3A_353, %swap3A_354] {strides = array<i32>} : memref<4x128xi32, #tpu.memory_space<vmem>>, vector<16xi32>,
      tpu.vector_store %arg7[%swap3A_353, %swap3A_354], %add3A_351 {strides = array<i32>} : memref<4x128xi32, #tpu.memory_space<vmem>>, vector<16xi32>,
      %add3A_356 = arith.constant 32 : i32
      %add3A_357 = vector.broadcast %add3A_356 : i32 to vector<16xi32>
      %add3A_358 = arith.addi %add3A_357, %iota3A : vector<16xi32>
      %mul3A_359 = arith.constant 200 : i32
      %mul3A_360 = vector.broadcast %mul3A_359 : i32 to vector<16xi32>
      %mul3A_361 = arith.muli %add3A_358, %mul3A_360 : vector<16xi32>
      %add3A_362 = arith.constant 2 : i32
      %add3A_363 = vector.broadcast %add3A_362 : i32 to vector<16xi32>
      %add3A_364 = arith.addi %mul3A_361, %add3A_363 : vector<16xi32>
      %add3A_365 = arith.constant 1 : i32
      %add3A_366 = vector.broadcast %add3A_365 : i32 to vector<16xi32>
      %add3A_367 = arith.addi %add3A_364, %add3A_366 : vector<16xi32>
      %shift_right_logical3A_368 = arith.constant 7 : i32
      %shift_right_logical3A_369 = vector.broadcast %shift_right_logical3A_368 : i32 to vector<16xi32>
      %shift_right_logical3A_370 = arith.shrui %add3A_364, %shift_right_logical3A_369 : vector<16xi32>
      %and3A_371 = arith.constant 127 : i32
      %and3A_372 = vector.broadcast %and3A_371 : i32 to vector<16xi32>
      %and3A_373 = arith.andi %add3A_364, %and3A_372 : vector<16xi32>
      %gather3A_374 = tpu.vector_load_idx %arg6[%shift_right_logical3A_370, %and3A_373] : memref<200x128xi32, #tpu.memory_space<vmem>>[vector<16xi32>, vector<16xi32>], vector<16xi32>,
      %shift_right_logical3A_375 = arith.constant 7 : i32
      %shift_right_logical3A_376 = vector.broadcast %shift_right_logical3A_375 : i32 to vector<16xi32>
      %shift_right_logical3A_377 = arith.shrui %add3A_367, %shift_right_logical3A_376 : vector<16xi32>
      %and3A_378 = arith.constant 127 : i32
      %and3A_379 = vector.broadcast %and3A_378 : i32 to vector<16xi32>
      %and3A_380 = arith.andi %add3A_367, %and3A_379 : vector<16xi32>
      %gather3A_381 = tpu.vector_load_idx %arg6[%shift_right_logical3A_377, %and3A_380] : memref<200x128xi32, #tpu.memory_space<vmem>>[vector<16xi32>, vector<16xi32>], vector<16xi32>,
      %mul3A_382 = arith.constant 81 : i32
      %mul3A_383 = vector.broadcast %mul3A_382 : i32 to vector<16xi32>
      %mul3A_384 = arith.muli %gather3A_374, %mul3A_383 : vector<16xi32>
      %add3A_385 = arith.addi %mul3A_384, %gather3A_381 : vector<16xi32>
      %swap3A_386 = arith.constant 1 : i32
      %swap3A_387 = arith.index_cast %swap3A_386 : i32 to index
      %swap3A_388 = arith.constant 32 : index
      %swap3A_389 = tpu.vector_load %arg7[%swap3A_387, %swap3A_388] {strides = array<i32>} : memref<4x128xi32, #tpu.memory_space<vmem>>, vector<16xi32>,
      tpu.vector_store %arg7[%swap3A_387, %swap3A_388], %add3A_385 {strides = array<i32>} : memref<4x128xi32, #tpu.memory_space<vmem>>, vector<16xi32>,
      %add3A_390 = arith.constant 48 : i32
      %add3A_391 = vector.broadcast %add3A_390 : i32 to vector<16xi32>
      %add3A_392 = arith.addi %add3A_391, %iota3A : vector<16xi32>
      %mul3A_393 = arith.constant 200 : i32
      %mul3A_394 = vector.broadcast %mul3A_393 : i32 to vector<16xi32>
      %mul3A_395 = arith.muli %add3A_392, %mul3A_394 : vector<16xi32>
      %add3A_396 = arith.constant 2 : i32
      %add3A_397 = vector.broadcast %add3A_396 : i32 to vector<16xi32>
      %add3A_398 = arith.addi %mul3A_395, %add3A_397 : vector<16xi32>
      %add3A_399 = arith.constant 1 : i32
      %add3A_400 = vector.broadcast %add3A_399 : i32 to vector<16xi32>
      %add3A_401 = arith.addi %add3A_398, %add3A_400 : vector<16xi32>
      %shift_right_logical3A_402 = arith.constant 7 : i32
      %shift_right_logical3A_403 = vector.broadcast %shift_right_logical3A_402 : i32 to vector<16xi32>
      %shift_right_logical3A_404 = arith.shrui %add3A_398, %shift_right_logical3A_403 : vector<16xi32>
      %and3A_405 = arith.constant 127 : i32
      %and3A_406 = vector.broadcast %and3A_405 : i32 to vector<16xi32>
      %and3A_407 = arith.andi %add3A_398, %and3A_406 : vector<16xi32>
      %gather3A_408 = tpu.vector_load_idx %arg6[%shift_right_logical3A_404, %and3A_407] : memref<200x128xi32, #tpu.memory_space<vmem>>[vector<16xi32>, vector<16xi32>], vector<16xi32>,
      %shift_right_logical3A_409 = arith.constant 7 : i32
      %shift_right_logical3A_410 = vector.broadcast %shift_right_logical3A_409 : i32 to vector<16xi32>
      %shift_right_logical3A_411 = arith.shrui %add3A_401, %shift_right_logical3A_410 : vector<16xi32>
      %and3A_412 = arith.constant 127 : i32
      %and3A_413 = vector.broadcast %and3A_412 : i32 to vector<16xi32>
      %and3A_414 = arith.andi %add3A_401, %and3A_413 : vector<16xi32>
      %gather3A_415 = tpu.vector_load_idx %arg6[%shift_right_logical3A_411, %and3A_414] : memref<200x128xi32, #tpu.memory_space<vmem>>[vector<16xi32>, vector<16xi32>], vector<16xi32>,
      %mul3A_416 = arith.constant 81 : i32
      %mul3A_417 = vector.broadcast %mul3A_416 : i32 to vector<16xi32>
      %mul3A_418 = arith.muli %gather3A_408, %mul3A_417 : vector<16xi32>
      %add3A_419 = arith.addi %mul3A_418, %gather3A_415 : vector<16xi32>
      %swap3A_420 = arith.constant 1 : i32
      %swap3A_421 = arith.index_cast %swap3A_420 : i32 to index
      %swap3A_422 = arith.constant 48 : index
      %swap3A_423 = tpu.vector_load %arg7[%swap3A_421, %swap3A_422] {strides = array<i32>} : memref<4x128xi32, #tpu.memory_space<vmem>>, vector<16xi32>,
      tpu.vector_store %arg7[%swap3A_421, %swap3A_422], %add3A_419 {strides = array<i32>} : memref<4x128xi32, #tpu.memory_space<vmem>>, vector<16xi32>,
      %add3A_424 = arith.constant 64 : i32
      %add3A_425 = vector.broadcast %add3A_424 : i32 to vector<16xi32>
      %add3A_426 = arith.addi %add3A_425, %iota3A : vector<16xi32>
      %mul3A_427 = arith.constant 200 : i32
      %mul3A_428 = vector.broadcast %mul3A_427 : i32 to vector<16xi32>
      %mul3A_429 = arith.muli %add3A_426, %mul3A_428 : vector<16xi32>
      %add3A_430 = arith.constant 2 : i32
      %add3A_431 = vector.broadcast %add3A_430 : i32 to vector<16xi32>
      %add3A_432 = arith.addi %mul3A_429, %add3A_431 : vector<16xi32>
      %add3A_433 = arith.constant 1 : i32
      %add3A_434 = vector.broadcast %add3A_433 : i32 to vector<16xi32>
      %add3A_435 = arith.addi %add3A_432, %add3A_434 : vector<16xi32>
      %shift_right_logical3A_436 = arith.constant 7 : i32
      %shift_right_logical3A_437 = vector.broadcast %shift_right_logical3A_436 : i32 to vector<16xi32>
      %shift_right_logical3A_438 = arith.shrui %add3A_432, %shift_right_logical3A_437 : vector<16xi32>
      %and3A_439 = arith.constant 127 : i32
      %and3A_440 = vector.broadcast %and3A_439 : i32 to vector<16xi32>
      %and3A_441 = arith.andi %add3A_432, %and3A_440 : vector<16xi32>
      %gather3A_442 = tpu.vector_load_idx %arg6[%shift_right_logical3A_438, %and3A_441] : memref<200x128xi32, #tpu.memory_space<vmem>>[vector<16xi32>, vector<16xi32>], vector<16xi32>,
      %shift_right_logical3A_443 = arith.constant 7 : i32
      %shift_right_logical3A_444 = vector.broadcast %shift_right_logical3A_443 : i32 to vector<16xi32>
      %shift_right_logical3A_445 = arith.shrui %add3A_435, %shift_right_logical3A_444 : vector<16xi32>
      %and3A_446 = arith.constant 127 : i32
      %and3A_447 = vector.broadcast %and3A_446 : i32 to vector<16xi32>
      %and3A_448 = arith.andi %add3A_435, %and3A_447 : vector<16xi32>
      %gather3A_449 = tpu.vector_load_idx %arg6[%shift_right_logical3A_445, %and3A_448] : memref<200x128xi32, #tpu.memory_space<vmem>>[vector<16xi32>, vector<16xi32>], vector<16xi32>,
      %mul3A_450 = arith.constant 81 : i32
      %mul3A_451 = vector.broadcast %mul3A_450 : i32 to vector<16xi32>
      %mul3A_452 = arith.muli %gather3A_442, %mul3A_451 : vector<16xi32>
      %add3A_453 = arith.addi %mul3A_452, %gather3A_449 : vector<16xi32>
      %swap3A_454 = arith.constant 1 : i32
      %swap3A_455 = arith.index_cast %swap3A_454 : i32 to index
      %swap3A_456 = arith.constant 64 : index
      %swap3A_457 = tpu.vector_load %arg7[%swap3A_455, %swap3A_456] {strides = array<i32>} : memref<4x128xi32, #tpu.memory_space<vmem>>, vector<16xi32>,
      tpu.vector_store %arg7[%swap3A_455, %swap3A_456], %add3A_453 {strides = array<i32>} : memref<4x128xi32, #tpu.memory_space<vmem>>, vector<16xi32>,
      %add3A_458 = arith.constant 80 : i32
      %add3A_459 = vector.broadcast %add3A_458 : i32 to vector<16xi32>
      %add3A_460 = arith.addi %add3A_459, %iota3A : vector<16xi32>
      %mul3A_461 = arith.constant 200 : i32
      %mul3A_462 = vector.broadcast %mul3A_461 : i32 to vector<16xi32>
      %mul3A_463 = arith.muli %add3A_460, %mul3A_462 : vector<16xi32>
      %add3A_464 = arith.constant 2 : i32
      %add3A_465 = vector.broadcast %add3A_464 : i32 to vector<16xi32>
      %add3A_466 = arith.addi %mul3A_463, %add3A_465 : vector<16xi32>
      %add3A_467 = arith.constant 1 : i32
      %add3A_468 = vector.broadcast %add3A_467 : i32 to vector<16xi32>
      %add3A_469 = arith.addi %add3A_466, %add3A_468 : vector<16xi32>
      %shift_right_logical3A_470 = arith.constant 7 : i32
      %shift_right_logical3A_471 = vector.broadcast %shift_right_logical3A_470 : i32 to vector<16xi32>
      %shift_right_logical3A_472 = arith.shrui %add3A_466, %shift_right_logical3A_471 : vector<16xi32>
      %and3A_473 = arith.constant 127 : i32
      %and3A_474 = vector.broadcast %and3A_473 : i32 to vector<16xi32>
      %and3A_475 = arith.andi %add3A_466, %and3A_474 : vector<16xi32>
      %gather3A_476 = tpu.vector_load_idx %arg6[%shift_right_logical3A_472, %and3A_475] : memref<200x128xi32, #tpu.memory_space<vmem>>[vector<16xi32>, vector<16xi32>], vector<16xi32>,
      %shift_right_logical3A_477 = arith.constant 7 : i32
      %shift_right_logical3A_478 = vector.broadcast %shift_right_logical3A_477 : i32 to vector<16xi32>
      %shift_right_logical3A_479 = arith.shrui %add3A_469, %shift_right_logical3A_478 : vector<16xi32>
      %and3A_480 = arith.constant 127 : i32
      %and3A_481 = vector.broadcast %and3A_480 : i32 to vector<16xi32>
      %and3A_482 = arith.andi %add3A_469, %and3A_481 : vector<16xi32>
      %gather3A_483 = tpu.vector_load_idx %arg6[%shift_right_logical3A_479, %and3A_482] : memref<200x128xi32, #tpu.memory_space<vmem>>[vector<16xi32>, vector<16xi32>], vector<16xi32>,
      %mul3A_484 = arith.constant 81 : i32
      %mul3A_485 = vector.broadcast %mul3A_484 : i32 to vector<16xi32>
      %mul3A_486 = arith.muli %gather3A_476, %mul3A_485 : vector<16xi32>
      %add3A_487 = arith.addi %mul3A_486, %gather3A_483 : vector<16xi32>
      %swap3A_488 = arith.constant 1 : i32
      %swap3A_489 = arith.index_cast %swap3A_488 : i32 to index
      %swap3A_490 = arith.constant 80 : index
      %swap3A_491 = tpu.vector_load %arg7[%swap3A_489, %swap3A_490] {strides = array<i32>} : memref<4x128xi32, #tpu.memory_space<vmem>>, vector<16xi32>,
      tpu.vector_store %arg7[%swap3A_489, %swap3A_490], %add3A_487 {strides = array<i32>} : memref<4x128xi32, #tpu.memory_space<vmem>>, vector<16xi32>,
      %add3A_492 = arith.constant 96 : i32
      %add3A_493 = vector.broadcast %add3A_492 : i32 to vector<16xi32>
      %add3A_494 = arith.addi %add3A_493, %iota3A : vector<16xi32>
      %mul3A_495 = arith.constant 200 : i32
      %mul3A_496 = vector.broadcast %mul3A_495 : i32 to vector<16xi32>
      %mul3A_497 = arith.muli %add3A_494, %mul3A_496 : vector<16xi32>
      %add3A_498 = arith.constant 2 : i32
      %add3A_499 = vector.broadcast %add3A_498 : i32 to vector<16xi32>
      %add3A_500 = arith.addi %mul3A_497, %add3A_499 : vector<16xi32>
      %add3A_501 = arith.constant 1 : i32
      %add3A_502 = vector.broadcast %add3A_501 : i32 to vector<16xi32>
      %add3A_503 = arith.addi %add3A_500, %add3A_502 : vector<16xi32>
      %shift_right_logical3A_504 = arith.constant 7 : i32
      %shift_right_logical3A_505 = vector.broadcast %shift_right_logical3A_504 : i32 to vector<16xi32>
      %shift_right_logical3A_506 = arith.shrui %add3A_500, %shift_right_logical3A_505 : vector<16xi32>
      %and3A_507 = arith.constant 127 : i32
      %and3A_508 = vector.broadcast %and3A_507 : i32 to vector<16xi32>
      %and3A_509 = arith.andi %add3A_500, %and3A_508 : vector<16xi32>
      %gather3A_510 = tpu.vector_load_idx %arg6[%shift_right_logical3A_506, %and3A_509] : memref<200x128xi32, #tpu.memory_space<vmem>>[vector<16xi32>, vector<16xi32>], vector<16xi32>,
      %shift_right_logical3A_511 = arith.constant 7 : i32
      %shift_right_logical3A_512 = vector.broadcast %shift_right_logical3A_511 : i32 to vector<16xi32>
      %shift_right_logical3A_513 = arith.shrui %add3A_503, %shift_right_logical3A_512 : vector<16xi32>
      %and3A_514 = arith.constant 127 : i32
      %and3A_515 = vector.broadcast %and3A_514 : i32 to vector<16xi32>
      %and3A_516 = arith.andi %add3A_503, %and3A_515 : vector<16xi32>
      %gather3A_517 = tpu.vector_load_idx %arg6[%shift_right_logical3A_513, %and3A_516] : memref<200x128xi32, #tpu.memory_space<vmem>>[vector<16xi32>, vector<16xi32>], vector<16xi32>,
      %mul3A_518 = arith.constant 81 : i32
      %mul3A_519 = vector.broadcast %mul3A_518 : i32 to vector<16xi32>
      %mul3A_520 = arith.muli %gather3A_510, %mul3A_519 : vector<16xi32>
      %add3A_521 = arith.addi %mul3A_520, %gather3A_517 : vector<16xi32>
      %swap3A_522 = arith.constant 1 : i32
      %swap3A_523 = arith.index_cast %swap3A_522 : i32 to index
      %swap3A_524 = arith.constant 96 : index
      %swap3A_525 = tpu.vector_load %arg7[%swap3A_523, %swap3A_524] {strides = array<i32>} : memref<4x128xi32, #tpu.memory_space<vmem>>, vector<16xi32>,
      tpu.vector_store %arg7[%swap3A_523, %swap3A_524], %add3A_521 {strides = array<i32>} : memref<4x128xi32, #tpu.memory_space<vmem>>, vector<16xi32>,
      %add3A_526 = arith.constant 112 : i32
      %add3A_527 = vector.broadcast %add3A_526 : i32 to vector<16xi32>
      %add3A_528 = arith.addi %add3A_527, %iota3A : vector<16xi32>
      %mul3A_529 = arith.constant 200 : i32
      %mul3A_530 = vector.broadcast %mul3A_529 : i32 to vector<16xi32>
      %mul3A_531 = arith.muli %add3A_528, %mul3A_530 : vector<16xi32>
      %add3A_532 = arith.constant 2 : i32
      %add3A_533 = vector.broadcast %add3A_532 : i32 to vector<16xi32>
      %add3A_534 = arith.addi %mul3A_531, %add3A_533 : vector<16xi32>
      %add3A_535 = arith.constant 1 : i32
      %add3A_536 = vector.broadcast %add3A_535 : i32 to vector<16xi32>
      %add3A_537 = arith.addi %add3A_534, %add3A_536 : vector<16xi32>
      %shift_right_logical3A_538 = arith.constant 7 : i32
      %shift_right_logical3A_539 = vector.broadcast %shift_right_logical3A_538 : i32 to vector<16xi32>
      %shift_right_logical3A_540 = arith.shrui %add3A_534, %shift_right_logical3A_539 : vector<16xi32>
      %and3A_541 = arith.constant 127 : i32
      %and3A_542 = vector.broadcast %and3A_541 : i32 to vector<16xi32>
      %and3A_543 = arith.andi %add3A_534, %and3A_542 : vector<16xi32>
      %gather3A_544 = tpu.vector_load_idx %arg6[%shift_right_logical3A_540, %and3A_543] : memref<200x128xi32, #tpu.memory_space<vmem>>[vector<16xi32>, vector<16xi32>], vector<16xi32>,
      %shift_right_logical3A_545 = arith.constant 7 : i32
      %shift_right_logical3A_546 = vector.broadcast %shift_right_logical3A_545 : i32 to vector<16xi32>
      %shift_right_logical3A_547 = arith.shrui %add3A_537, %shift_right_logical3A_546 : vector<16xi32>
      %and3A_548 = arith.constant 127 : i32
      %and3A_549 = vector.broadcast %and3A_548 : i32 to vector<16xi32>
      %and3A_550 = arith.andi %add3A_537, %and3A_549 : vector<16xi32>
      %gather3A_551 = tpu.vector_load_idx %arg6[%shift_right_logical3A_547, %and3A_550] : memref<200x128xi32, #tpu.memory_space<vmem>>[vector<16xi32>, vector<16xi32>], vector<16xi32>,
      %mul3A_552 = arith.constant 81 : i32
      %mul3A_553 = vector.broadcast %mul3A_552 : i32 to vector<16xi32>
      %mul3A_554 = arith.muli %gather3A_544, %mul3A_553 : vector<16xi32>
      %add3A_555 = arith.addi %mul3A_554, %gather3A_551 : vector<16xi32>
      %swap3A_556 = arith.constant 1 : i32
      %swap3A_557 = arith.index_cast %swap3A_556 : i32 to index
      %swap3A_558 = arith.constant 112 : index
      %swap3A_559 = tpu.vector_load %arg7[%swap3A_557, %swap3A_558] {strides = array<i32>} : memref<4x128xi32, #tpu.memory_space<vmem>>, vector<16xi32>,
      tpu.vector_store %arg7[%swap3A_557, %swap3A_558], %add3A_555 {strides = array<i32>} : memref<4x128xi32, #tpu.memory_space<vmem>>, vector<16xi32>,
      %add3A_560 = arith.constant 0 : i32
      %add3A_561 = vector.broadcast %add3A_560 : i32 to vector<16xi32>
      %add3A_562 = arith.addi %add3A_561, %iota3A : vector<16xi32>
      %mul3A_563 = arith.constant 200 : i32
      %mul3A_564 = vector.broadcast %mul3A_563 : i32 to vector<16xi32>
      %mul3A_565 = arith.muli %add3A_562, %mul3A_564 : vector<16xi32>
      %add3A_566 = arith.constant 4 : i32
      %add3A_567 = vector.broadcast %add3A_566 : i32 to vector<16xi32>
      %add3A_568 = arith.addi %mul3A_565, %add3A_567 : vector<16xi32>
      %add3A_569 = arith.constant 1 : i32
      %add3A_570 = vector.broadcast %add3A_569 : i32 to vector<16xi32>
      %add3A_571 = arith.addi %add3A_568, %add3A_570 : vector<16xi32>
      %shift_right_logical3A_572 = arith.constant 7 : i32
      %shift_right_logical3A_573 = vector.broadcast %shift_right_logical3A_572 : i32 to vector<16xi32>
      %shift_right_logical3A_574 = arith.shrui %add3A_568, %shift_right_logical3A_573 : vector<16xi32>
      %and3A_575 = arith.constant 127 : i32
      %and3A_576 = vector.broadcast %and3A_575 : i32 to vector<16xi32>
      %and3A_577 = arith.andi %add3A_568, %and3A_576 : vector<16xi32>
      %gather3A_578 = tpu.vector_load_idx %arg6[%shift_right_logical3A_574, %and3A_577] : memref<200x128xi32, #tpu.memory_space<vmem>>[vector<16xi32>, vector<16xi32>], vector<16xi32>,
      %shift_right_logical3A_579 = arith.constant 7 : i32
      %shift_right_logical3A_580 = vector.broadcast %shift_right_logical3A_579 : i32 to vector<16xi32>
      %shift_right_logical3A_581 = arith.shrui %add3A_571, %shift_right_logical3A_580 : vector<16xi32>
      %and3A_582 = arith.constant 127 : i32
      %and3A_583 = vector.broadcast %and3A_582 : i32 to vector<16xi32>
      %and3A_584 = arith.andi %add3A_571, %and3A_583 : vector<16xi32>
      %gather3A_585 = tpu.vector_load_idx %arg6[%shift_right_logical3A_581, %and3A_584] : memref<200x128xi32, #tpu.memory_space<vmem>>[vector<16xi32>, vector<16xi32>], vector<16xi32>,
      %mul3A_586 = arith.constant 81 : i32
      %mul3A_587 = vector.broadcast %mul3A_586 : i32 to vector<16xi32>
      %mul3A_588 = arith.muli %gather3A_578, %mul3A_587 : vector<16xi32>
      %add3A_589 = arith.addi %mul3A_588, %gather3A_585 : vector<16xi32>
      %swap3A_590 = arith.constant 2 : i32
      %swap3A_591 = arith.index_cast %swap3A_590 : i32 to index
      %swap3A_592 = arith.constant 0 : index
      %swap3A_593 = tpu.vector_load %arg7[%swap3A_591, %swap3A_592] {strides = array<i32>} : memref<4x128xi32, #tpu.memory_space<vmem>>, vector<16xi32>,
      tpu.vector_store %arg7[%swap3A_591, %swap3A_592], %add3A_589 {strides = array<i32>} : memref<4x128xi32, #tpu.memory_space<vmem>>, vector<16xi32>,
      %add3A_594 = arith.constant 16 : i32
      %add3A_595 = vector.broadcast %add3A_594 : i32 to vector<16xi32>
      %add3A_596 = arith.addi %add3A_595, %iota3A : vector<16xi32>
      %mul3A_597 = arith.constant 200 : i32
      %mul3A_598 = vector.broadcast %mul3A_597 : i32 to vector<16xi32>
      %mul3A_599 = arith.muli %add3A_596, %mul3A_598 : vector<16xi32>
      %add3A_600 = arith.constant 4 : i32
      %add3A_601 = vector.broadcast %add3A_600 : i32 to vector<16xi32>
      %add3A_602 = arith.addi %mul3A_599, %add3A_601 : vector<16xi32>
      %add3A_603 = arith.constant 1 : i32
      %add3A_604 = vector.broadcast %add3A_603 : i32 to vector<16xi32>
      %add3A_605 = arith.addi %add3A_602, %add3A_604 : vector<16xi32>
      %shift_right_logical3A_606 = arith.constant 7 : i32
      %shift_right_logical3A_607 = vector.broadcast %shift_right_logical3A_606 : i32 to vector<16xi32>
      %shift_right_logical3A_608 = arith.shrui %add3A_602, %shift_right_logical3A_607 : vector<16xi32>
      %and3A_609 = arith.constant 127 : i32
      %and3A_610 = vector.broadcast %and3A_609 : i32 to vector<16xi32>
      %and3A_611 = arith.andi %add3A_602, %and3A_610 : vector<16xi32>
      %gather3A_612 = tpu.vector_load_idx %arg6[%shift_right_logical3A_608, %and3A_611] : memref<200x128xi32, #tpu.memory_space<vmem>>[vector<16xi32>, vector<16xi32>], vector<16xi32>,
      %shift_right_logical3A_613 = arith.constant 7 : i32
      %shift_right_logical3A_614 = vector.broadcast %shift_right_logical3A_613 : i32 to vector<16xi32>
      %shift_right_logical3A_615 = arith.shrui %add3A_605, %shift_right_logical3A_614 : vector<16xi32>
      %and3A_616 = arith.constant 127 : i32
      %and3A_617 = vector.broadcast %and3A_616 : i32 to vector<16xi32>
      %and3A_618 = arith.andi %add3A_605, %and3A_617 : vector<16xi32>
      %gather3A_619 = tpu.vector_load_idx %arg6[%shift_right_logical3A_615, %and3A_618] : memref<200x128xi32, #tpu.memory_space<vmem>>[vector<16xi32>, vector<16xi32>], vector<16xi32>,
      %mul3A_620 = arith.constant 81 : i32
      %mul3A_621 = vector.broadcast %mul3A_620 : i32 to vector<16xi32>
      %mul3A_622 = arith.muli %gather3A_612, %mul3A_621 : vector<16xi32>
      %add3A_623 = arith.addi %mul3A_622, %gather3A_619 : vector<16xi32>
      %swap3A_624 = arith.constant 2 : i32
      %swap3A_625 = arith.index_cast %swap3A_624 : i32 to index
      %swap3A_626 = arith.constant 16 : index
      %swap3A_627 = tpu.vector_load %arg7[%swap3A_625, %swap3A_626] {strides = array<i32>} : memref<4x128xi32, #tpu.memory_space<vmem>>, vector<16xi32>,
      tpu.vector_store %arg7[%swap3A_625, %swap3A_626], %add3A_623 {strides = array<i32>} : memref<4x128xi32, #tpu.memory_space<vmem>>, vector<16xi32>,
      %add3A_628 = arith.constant 32 : i32
      %add3A_629 = vector.broadcast %add3A_628 : i32 to vector<16xi32>
      %add3A_630 = arith.addi %add3A_629, %iota3A : vector<16xi32>
      %mul3A_631 = arith.constant 200 : i32
      %mul3A_632 = vector.broadcast %mul3A_631 : i32 to vector<16xi32>
      %mul3A_633 = arith.muli %add3A_630, %mul3A_632 : vector<16xi32>
      %add3A_634 = arith.constant 4 : i32
      %add3A_635 = vector.broadcast %add3A_634 : i32 to vector<16xi32>
      %add3A_636 = arith.addi %mul3A_633, %add3A_635 : vector<16xi32>
      %add3A_637 = arith.constant 1 : i32
      %add3A_638 = vector.broadcast %add3A_637 : i32 to vector<16xi32>
      %add3A_639 = arith.addi %add3A_636, %add3A_638 : vector<16xi32>
      %shift_right_logical3A_640 = arith.constant 7 : i32
      %shift_right_logical3A_641 = vector.broadcast %shift_right_logical3A_640 : i32 to vector<16xi32>
      %shift_right_logical3A_642 = arith.shrui %add3A_636, %shift_right_logical3A_641 : vector<16xi32>
      %and3A_643 = arith.constant 127 : i32
      %and3A_644 = vector.broadcast %and3A_643 : i32 to vector<16xi32>
      %and3A_645 = arith.andi %add3A_636, %and3A_644 : vector<16xi32>
      %gather3A_646 = tpu.vector_load_idx %arg6[%shift_right_logical3A_642, %and3A_645] : memref<200x128xi32, #tpu.memory_space<vmem>>[vector<16xi32>, vector<16xi32>], vector<16xi32>,
      %shift_right_logical3A_647 = arith.constant 7 : i32
      %shift_right_logical3A_648 = vector.broadcast %shift_right_logical3A_647 : i32 to vector<16xi32>
      %shift_right_logical3A_649 = arith.shrui %add3A_639, %shift_right_logical3A_648 : vector<16xi32>
      %and3A_650 = arith.constant 127 : i32
      %and3A_651 = vector.broadcast %and3A_650 : i32 to vector<16xi32>
      %and3A_652 = arith.andi %add3A_639, %and3A_651 : vector<16xi32>
      %gather3A_653 = tpu.vector_load_idx %arg6[%shift_right_logical3A_649, %and3A_652] : memref<200x128xi32, #tpu.memory_space<vmem>>[vector<16xi32>, vector<16xi32>], vector<16xi32>,
      %mul3A_654 = arith.constant 81 : i32
      %mul3A_655 = vector.broadcast %mul3A_654 : i32 to vector<16xi32>
      %mul3A_656 = arith.muli %gather3A_646, %mul3A_655 : vector<16xi32>
      %add3A_657 = arith.addi %mul3A_656, %gather3A_653 : vector<16xi32>
      %swap3A_658 = arith.constant 2 : i32
      %swap3A_659 = arith.index_cast %swap3A_658 : i32 to index
      %swap3A_660 = arith.constant 32 : index
      %swap3A_661 = tpu.vector_load %arg7[%swap3A_659, %swap3A_660] {strides = array<i32>} : memref<4x128xi32, #tpu.memory_space<vmem>>, vector<16xi32>,
      tpu.vector_store %arg7[%swap3A_659, %swap3A_660], %add3A_657 {strides = array<i32>} : memref<4x128xi32, #tpu.memory_space<vmem>>, vector<16xi32>,
      %add3A_662 = arith.constant 48 : i32
      %add3A_663 = vector.broadcast %add3A_662 : i32 to vector<16xi32>
      %add3A_664 = arith.addi %add3A_663, %iota3A : vector<16xi32>
      %mul3A_665 = arith.constant 200 : i32
      %mul3A_666 = vector.broadcast %mul3A_665 : i32 to vector<16xi32>
      %mul3A_667 = arith.muli %add3A_664, %mul3A_666 : vector<16xi32>
      %add3A_668 = arith.constant 4 : i32
      %add3A_669 = vector.broadcast %add3A_668 : i32 to vector<16xi32>
      %add3A_670 = arith.addi %mul3A_667, %add3A_669 : vector<16xi32>
      %add3A_671 = arith.constant 1 : i32
      %add3A_672 = vector.broadcast %add3A_671 : i32 to vector<16xi32>
      %add3A_673 = arith.addi %add3A_670, %add3A_672 : vector<16xi32>
      %shift_right_logical3A_674 = arith.constant 7 : i32
      %shift_right_logical3A_675 = vector.broadcast %shift_right_logical3A_674 : i32 to vector<16xi32>
      %shift_right_logical3A_676 = arith.shrui %add3A_670, %shift_right_logical3A_675 : vector<16xi32>
      %and3A_677 = arith.constant 127 : i32
      %and3A_678 = vector.broadcast %and3A_677 : i32 to vector<16xi32>
      %and3A_679 = arith.andi %add3A_670, %and3A_678 : vector<16xi32>
      %gather3A_680 = tpu.vector_load_idx %arg6[%shift_right_logical3A_676, %and3A_679] : memref<200x128xi32, #tpu.memory_space<vmem>>[vector<16xi32>, vector<16xi32>], vector<16xi32>,
      %shift_right_logical3A_681 = arith.constant 7 : i32
      %shift_right_logical3A_682 = vector.broadcast %shift_right_logical3A_681 : i32 to vector<16xi32>
      %shift_right_logical3A_683 = arith.shrui %add3A_673, %shift_right_logical3A_682 : vector<16xi32>
      %and3A_684 = arith.constant 127 : i32
      %and3A_685 = vector.broadcast %and3A_684 : i32 to vector<16xi32>
      %and3A_686 = arith.andi %add3A_673, %and3A_685 : vector<16xi32>
      %gather3A_687 = tpu.vector_load_idx %arg6[%shift_right_logical3A_683, %and3A_686] : memref<200x128xi32, #tpu.memory_space<vmem>>[vector<16xi32>, vector<16xi32>], vector<16xi32>,
      %mul3A_688 = arith.constant 81 : i32
      %mul3A_689 = vector.broadcast %mul3A_688 : i32 to vector<16xi32>
      %mul3A_690 = arith.muli %gather3A_680, %mul3A_689 : vector<16xi32>
      %add3A_691 = arith.addi %mul3A_690, %gather3A_687 : vector<16xi32>
      %swap3A_692 = arith.constant 2 : i32
      %swap3A_693 = arith.index_cast %swap3A_692 : i32 to index
      %swap3A_694 = arith.constant 48 : index
      %swap3A_695 = tpu.vector_load %arg7[%swap3A_693, %swap3A_694] {strides = array<i32>} : memref<4x128xi32, #tpu.memory_space<vmem>>, vector<16xi32>,
      tpu.vector_store %arg7[%swap3A_693, %swap3A_694], %add3A_691 {strides = array<i32>} : memref<4x128xi32, #tpu.memory_space<vmem>>, vector<16xi32>,
      %add3A_696 = arith.constant 64 : i32
      %add3A_697 = vector.broadcast %add3A_696 : i32 to vector<16xi32>
      %add3A_698 = arith.addi %add3A_697, %iota3A : vector<16xi32>
      %mul3A_699 = arith.constant 200 : i32
      %mul3A_700 = vector.broadcast %mul3A_699 : i32 to vector<16xi32>
      %mul3A_701 = arith.muli %add3A_698, %mul3A_700 : vector<16xi32>
      %add3A_702 = arith.constant 4 : i32
      %add3A_703 = vector.broadcast %add3A_702 : i32 to vector<16xi32>
      %add3A_704 = arith.addi %mul3A_701, %add3A_703 : vector<16xi32>
      %add3A_705 = arith.constant 1 : i32
      %add3A_706 = vector.broadcast %add3A_705 : i32 to vector<16xi32>
      %add3A_707 = arith.addi %add3A_704, %add3A_706 : vector<16xi32>
      %shift_right_logical3A_708 = arith.constant 7 : i32
      %shift_right_logical3A_709 = vector.broadcast %shift_right_logical3A_708 : i32 to vector<16xi32>
      %shift_right_logical3A_710 = arith.shrui %add3A_704, %shift_right_logical3A_709 : vector<16xi32>
      %and3A_711 = arith.constant 127 : i32
      %and3A_712 = vector.broadcast %and3A_711 : i32 to vector<16xi32>
      %and3A_713 = arith.andi %add3A_704, %and3A_712 : vector<16xi32>
      %gather3A_714 = tpu.vector_load_idx %arg6[%shift_right_logical3A_710, %and3A_713] : memref<200x128xi32, #tpu.memory_space<vmem>>[vector<16xi32>, vector<16xi32>], vector<16xi32>,
      %shift_right_logical3A_715 = arith.constant 7 : i32
      %shift_right_logical3A_716 = vector.broadcast %shift_right_logical3A_715 : i32 to vector<16xi32>
      %shift_right_logical3A_717 = arith.shrui %add3A_707, %shift_right_logical3A_716 : vector<16xi32>
      %and3A_718 = arith.constant 127 : i32
      %and3A_719 = vector.broadcast %and3A_718 : i32 to vector<16xi32>
      %and3A_720 = arith.andi %add3A_707, %and3A_719 : vector<16xi32>
      %gather3A_721 = tpu.vector_load_idx %arg6[%shift_right_logical3A_717, %and3A_720] : memref<200x128xi32, #tpu.memory_space<vmem>>[vector<16xi32>, vector<16xi32>], vector<16xi32>,
      %mul3A_722 = arith.constant 81 : i32
      %mul3A_723 = vector.broadcast %mul3A_722 : i32 to vector<16xi32>
      %mul3A_724 = arith.muli %gather3A_714, %mul3A_723 : vector<16xi32>
      %add3A_725 = arith.addi %mul3A_724, %gather3A_721 : vector<16xi32>
      %swap3A_726 = arith.constant 2 : i32
      %swap3A_727 = arith.index_cast %swap3A_726 : i32 to index
      %swap3A_728 = arith.constant 64 : index
      %swap3A_729 = tpu.vector_load %arg7[%swap3A_727, %swap3A_728] {strides = array<i32>} : memref<4x128xi32, #tpu.memory_space<vmem>>, vector<16xi32>,
      tpu.vector_store %arg7[%swap3A_727, %swap3A_728], %add3A_725 {strides = array<i32>} : memref<4x128xi32, #tpu.memory_space<vmem>>, vector<16xi32>,
      %add3A_730 = arith.constant 80 : i32
      %add3A_731 = vector.broadcast %add3A_730 : i32 to vector<16xi32>
      %add3A_732 = arith.addi %add3A_731, %iota3A : vector<16xi32>
      %mul3A_733 = arith.constant 200 : i32
      %mul3A_734 = vector.broadcast %mul3A_733 : i32 to vector<16xi32>
      %mul3A_735 = arith.muli %add3A_732, %mul3A_734 : vector<16xi32>
      %add3A_736 = arith.constant 4 : i32
      %add3A_737 = vector.broadcast %add3A_736 : i32 to vector<16xi32>
      %add3A_738 = arith.addi %mul3A_735, %add3A_737 : vector<16xi32>
      %add3A_739 = arith.constant 1 : i32
      %add3A_740 = vector.broadcast %add3A_739 : i32 to vector<16xi32>
      %add3A_741 = arith.addi %add3A_738, %add3A_740 : vector<16xi32>
      %shift_right_logical3A_742 = arith.constant 7 : i32
      %shift_right_logical3A_743 = vector.broadcast %shift_right_logical3A_742 : i32 to vector<16xi32>
      %shift_right_logical3A_744 = arith.shrui %add3A_738, %shift_right_logical3A_743 : vector<16xi32>
      %and3A_745 = arith.constant 127 : i32
      %and3A_746 = vector.broadcast %and3A_745 : i32 to vector<16xi32>
      %and3A_747 = arith.andi %add3A_738, %and3A_746 : vector<16xi32>
      %gather3A_748 = tpu.vector_load_idx %arg6[%shift_right_logical3A_744, %and3A_747] : memref<200x128xi32, #tpu.memory_space<vmem>>[vector<16xi32>, vector<16xi32>], vector<16xi32>,
      %shift_right_logical3A_749 = arith.constant 7 : i32
      %shift_right_logical3A_750 = vector.broadcast %shift_right_logical3A_749 : i32 to vector<16xi32>
      %shift_right_logical3A_751 = arith.shrui %add3A_741, %shift_right_logical3A_750 : vector<16xi32>
      %and3A_752 = arith.constant 127 : i32
      %and3A_753 = vector.broadcast %and3A_752 : i32 to vector<16xi32>
      %and3A_754 = arith.andi %add3A_741, %and3A_753 : vector<16xi32>
      %gather3A_755 = tpu.vector_load_idx %arg6[%shift_right_logical3A_751, %and3A_754] : memref<200x128xi32, #tpu.memory_space<vmem>>[vector<16xi32>, vector<16xi32>], vector<16xi32>,
      %mul3A_756 = arith.constant 81 : i32
      %mul3A_757 = vector.broadcast %mul3A_756 : i32 to vector<16xi32>
      %mul3A_758 = arith.muli %gather3A_748, %mul3A_757 : vector<16xi32>
      %add3A_759 = arith.addi %mul3A_758, %gather3A_755 : vector<16xi32>
      %swap3A_760 = arith.constant 2 : i32
      %swap3A_761 = arith.index_cast %swap3A_760 : i32 to index
      %swap3A_762 = arith.constant 80 : index
      %swap3A_763 = tpu.vector_load %arg7[%swap3A_761, %swap3A_762] {strides = array<i32>} : memref<4x128xi32, #tpu.memory_space<vmem>>, vector<16xi32>,
      tpu.vector_store %arg7[%swap3A_761, %swap3A_762], %add3A_759 {strides = array<i32>} : memref<4x128xi32, #tpu.memory_space<vmem>>, vector<16xi32>,
      %add3A_764 = arith.constant 96 : i32
      %add3A_765 = vector.broadcast %add3A_764 : i32 to vector<16xi32>
      %add3A_766 = arith.addi %add3A_765, %iota3A : vector<16xi32>
      %mul3A_767 = arith.constant 200 : i32
      %mul3A_768 = vector.broadcast %mul3A_767 : i32 to vector<16xi32>
      %mul3A_769 = arith.muli %add3A_766, %mul3A_768 : vector<16xi32>
      %add3A_770 = arith.constant 4 : i32
      %add3A_771 = vector.broadcast %add3A_770 : i32 to vector<16xi32>
      %add3A_772 = arith.addi %mul3A_769, %add3A_771 : vector<16xi32>
      %add3A_773 = arith.constant 1 : i32
      %add3A_774 = vector.broadcast %add3A_773 : i32 to vector<16xi32>
      %add3A_775 = arith.addi %add3A_772, %add3A_774 : vector<16xi32>
      %shift_right_logical3A_776 = arith.constant 7 : i32
      %shift_right_logical3A_777 = vector.broadcast %shift_right_logical3A_776 : i32 to vector<16xi32>
      %shift_right_logical3A_778 = arith.shrui %add3A_772, %shift_right_logical3A_777 : vector<16xi32>
      %and3A_779 = arith.constant 127 : i32
      %and3A_780 = vector.broadcast %and3A_779 : i32 to vector<16xi32>
      %and3A_781 = arith.andi %add3A_772, %and3A_780 : vector<16xi32>
      %gather3A_782 = tpu.vector_load_idx %arg6[%shift_right_logical3A_778, %and3A_781] : memref<200x128xi32, #tpu.memory_space<vmem>>[vector<16xi32>, vector<16xi32>], vector<16xi32>,
      %shift_right_logical3A_783 = arith.constant 7 : i32
      %shift_right_logical3A_784 = vector.broadcast %shift_right_logical3A_783 : i32 to vector<16xi32>
      %shift_right_logical3A_785 = arith.shrui %add3A_775, %shift_right_logical3A_784 : vector<16xi32>
      %and3A_786 = arith.constant 127 : i32
      %and3A_787 = vector.broadcast %and3A_786 : i32 to vector<16xi32>
      %and3A_788 = arith.andi %add3A_775, %and3A_787 : vector<16xi32>
      %gather3A_789 = tpu.vector_load_idx %arg6[%shift_right_logical3A_785, %and3A_788] : memref<200x128xi32, #tpu.memory_space<vmem>>[vector<16xi32>, vector<16xi32>], vector<16xi32>,
      %mul3A_790 = arith.constant 81 : i32
      %mul3A_791 = vector.broadcast %mul3A_790 : i32 to vector<16xi32>
      %mul3A_792 = arith.muli %gather3A_782, %mul3A_791 : vector<16xi32>
      %add3A_793 = arith.addi %mul3A_792, %gather3A_789 : vector<16xi32>
      %swap3A_794 = arith.constant 2 : i32
      %swap3A_795 = arith.index_cast %swap3A_794 : i32 to index
      %swap3A_796 = arith.constant 96 : index
      %swap3A_797 = tpu.vector_load %arg7[%swap3A_795, %swap3A_796] {strides = array<i32>} : memref<4x128xi32, #tpu.memory_space<vmem>>, vector<16xi32>,
      tpu.vector_store %arg7[%swap3A_795, %swap3A_796], %add3A_793 {strides = array<i32>} : memref<4x128xi32, #tpu.memory_space<vmem>>, vector<16xi32>,
      %add3A_798 = arith.constant 112 : i32
      %add3A_799 = vector.broadcast %add3A_798 : i32 to vector<16xi32>
      %add3A_800 = arith.addi %add3A_799, %iota3A : vector<16xi32>
      %mul3A_801 = arith.constant 200 : i32
      %mul3A_802 = vector.broadcast %mul3A_801 : i32 to vector<16xi32>
      %mul3A_803 = arith.muli %add3A_800, %mul3A_802 : vector<16xi32>
      %add3A_804 = arith.constant 4 : i32
      %add3A_805 = vector.broadcast %add3A_804 : i32 to vector<16xi32>
      %add3A_806 = arith.addi %mul3A_803, %add3A_805 : vector<16xi32>
      %add3A_807 = arith.constant 1 : i32
      %add3A_808 = vector.broadcast %add3A_807 : i32 to vector<16xi32>
      %add3A_809 = arith.addi %add3A_806, %add3A_808 : vector<16xi32>
      %shift_right_logical3A_810 = arith.constant 7 : i32
      %shift_right_logical3A_811 = vector.broadcast %shift_right_logical3A_810 : i32 to vector<16xi32>
      %shift_right_logical3A_812 = arith.shrui %add3A_806, %shift_right_logical3A_811 : vector<16xi32>
      %and3A_813 = arith.constant 127 : i32
      %and3A_814 = vector.broadcast %and3A_813 : i32 to vector<16xi32>
      %and3A_815 = arith.andi %add3A_806, %and3A_814 : vector<16xi32>
      %gather3A_816 = tpu.vector_load_idx %arg6[%shift_right_logical3A_812, %and3A_815] : memref<200x128xi32, #tpu.memory_space<vmem>>[vector<16xi32>, vector<16xi32>], vector<16xi32>,
      %shift_right_logical3A_817 = arith.constant 7 : i32
      %shift_right_logical3A_818 = vector.broadcast %shift_right_logical3A_817 : i32 to vector<16xi32>
      %shift_right_logical3A_819 = arith.shrui %add3A_809, %shift_right_logical3A_818 : vector<16xi32>
      %and3A_820 = arith.constant 127 : i32
      %and3A_821 = vector.broadcast %and3A_820 : i32 to vector<16xi32>
      %and3A_822 = arith.andi %add3A_809, %and3A_821 : vector<16xi32>
      %gather3A_823 = tpu.vector_load_idx %arg6[%shift_right_logical3A_819, %and3A_822] : memref<200x128xi32, #tpu.memory_space<vmem>>[vector<16xi32>, vector<16xi32>], vector<16xi32>,
      %mul3A_824 = arith.constant 81 : i32
      %mul3A_825 = vector.broadcast %mul3A_824 : i32 to vector<16xi32>
      %mul3A_826 = arith.muli %gather3A_816, %mul3A_825 : vector<16xi32>
      %add3A_827 = arith.addi %mul3A_826, %gather3A_823 : vector<16xi32>
      %swap3A_828 = arith.constant 2 : i32
      %swap3A_829 = arith.index_cast %swap3A_828 : i32 to index
      %swap3A_830 = arith.constant 112 : index
      %swap3A_831 = tpu.vector_load %arg7[%swap3A_829, %swap3A_830] {strides = array<i32>} : memref<4x128xi32, #tpu.memory_space<vmem>>, vector<16xi32>,
      tpu.vector_store %arg7[%swap3A_829, %swap3A_830], %add3A_827 {strides = array<i32>} : memref<4x128xi32, #tpu.memory_space<vmem>>, vector<16xi32>,
      %mul3A_832 = arith.constant 128 : i32
      %mul3A_833 = arith.muli %scan3A_16, %mul3A_832 : i32
      %add3A_834 = arith.addi %mul3A_4, %mul3A_833 : i32
      %scan3A_835 = arith.constant 0 : i32
      %scan3A_836 = arith.constant 0 : i32
      %scan3A_837 = arith.constant 33 : i32
      %scan3A_838 = arith.addi %scan3A_836, %scan3A_837 : i32
      %scan3A_839 = arith.constant 1 : i32
      scf.for %scan3A_873 = %scan3A_836 to %scan3A_838 step %scan3A_839  : i32 {
        %mul3A_874 = arith.constant 3 : i32
        %mul3A_875 = arith.muli %mul3A_874, %scan3A_873 : i32
        %add3A_876 = arith.constant 0 : i32
        %add3A_877 = arith.addi %mul3A_875, %add3A_876 : i32
        %gt3A = arith.constant 0 : i32
        %gt3A_878 = arith.cmpi sgt, %scan3A_873, %gt3A : i32
        %convert_element_type3A = arith.extui %gt3A_878 : i1 to i32
        %cond3A = arith.constant 0 : i32
        %cond3A_879 = arith.cmpi ne, %convert_element_type3A, %cond3A : i32
        scf.if %cond3A_879 {
          %sub3A = arith.constant 3 : i32
          %sub3A_972 = arith.subi %add3A_877, %sub3A : i32
          %mul3A_973 = arith.constant 128 : i32
          %mul3A_974 = arith.muli %sub3A_972, %mul3A_973 : i32
          %dma_wait3A_975 = tpu.memref_slice %arg4[%add3A_834, %mul3A_974] : memref<16384x12800xf32, #tpu.memory_space<hbm>> -> memref<128x128xf32, #tpu.memory_space<hbm>>
          %dma_wait3A_976 = tpu.memref_slice %arg4[%add3A_834, %mul3A_974] : memref<16384x12800xf32, #tpu.memory_space<hbm>> -> memref<128x128xf32, #tpu.memory_space<hbm>>
          tpu.wait_dma2 semaphore(%arg12 : memref<!tpu.dma_semaphore, #tpu.memory_space<semaphore_mem>>) src(%arg8 : memref<128x128xf32, #tpu.memory_space<vmem>>) dst(%dma_wait3A_976 : memref<128x128xf32, #tpu.memory_space<hbm>>)
        } else {
        }
        %and3A_880 = arith.constant 3 : i32
        %and3A_881 = arith.andi %add3A_877, %and3A_880 : i32
        %dma_start3A_882 = arith.constant 0 : i32
        %dma_start3A_883 = tpu.memref_slice %arg7[%and3A_881, %dma_start3A_882] : memref<4x128xi32, #tpu.memory_space<vmem>> -> memref<1x128xi32, #tpu.memory_space<vmem>>
        %dma_start3A_884 = tpu.memref_squeeze %dma_start3A_883 : memref<1x128xi32, #tpu.memory_space<vmem>> -> memref<128xi32, #tpu.memory_space<vmem>>
        %dma_start3A_885 = arith.constant 0 : i32
        %dma_start3A_886 = arith.constant 0 : i32
        %dma_start3A_887 = tpu.memref_slice %arg5[%dma_start3A_885, %dma_start3A_886] : memref<6561x128xf32, #tpu.memory_space<vmem_shared>> -> memref<6561x128xf32, #tpu.memory_space<vmem_shared>>
        tpu.enqueue_indirect_dma source(%dma_start3A_887 : memref<6561x128xf32, #tpu.memory_space<vmem_shared>>) target(%arg8 : memref<128x128xf32, #tpu.memory_space<vmem>>) offsets(%dma_start3A_884 : memref<128xi32, #tpu.memory_space<vmem>>) semaphore(%arg11 : memref<!tpu.dma_semaphore, #tpu.memory_space<semaphore_mem>>)
        %add3A_888 = arith.constant 3 : i32
        %add3A_889 = arith.addi %add3A_877, %add3A_888 : i32
        %lt3A = arith.constant 100 : i32
        %lt3A_890 = arith.cmpi slt, %add3A_889, %lt3A : i32
        %convert_element_type3A_891 = arith.extui %lt3A_890 : i1 to i32
        %cond3A_892 = arith.constant 0 : i32
        %cond3A_893 = arith.cmpi ne, %convert_element_type3A_891, %cond3A_892 : i32
        scf.if %cond3A_893 {
          %add3A_972 = arith.constant 3 : i32
          %add3A_973 = arith.addi %add3A_877, %add3A_972 : i32
          %add3A_974 = arith.constant 0 : i32
          %add3A_975 = vector.broadcast %add3A_974 : i32 to vector<16xi32>
          %add3A_976 = arith.addi %add3A_975, %iota3A : vector<16xi32>
          %mul3A_977 = arith.constant 200 : i32
          %mul3A_978 = vector.broadcast %mul3A_977 : i32 to vector<16xi32>
          %mul3A_979 = arith.muli %add3A_976, %mul3A_978 : vector<16xi32>
          %mul3A_980 = arith.constant 2 : i32
          %mul3A_981 = arith.muli %mul3A_980, %add3A_973 : i32
          %add3A_982 = vector.broadcast %mul3A_981 : i32 to vector<16xi32>
          %add3A_983 = arith.addi %mul3A_979, %add3A_982 : vector<16xi32>
          %add3A_984 = arith.constant 1 : i32
          %add3A_985 = vector.broadcast %add3A_984 : i32 to vector<16xi32>
          %add3A_986 = arith.addi %add3A_983, %add3A_985 : vector<16xi32>
          %shift_right_logical3A_987 = arith.constant 7 : i32
          %shift_right_logical3A_988 = vector.broadcast %shift_right_logical3A_987 : i32 to vector<16xi32>
          %shift_right_logical3A_989 = arith.shrui %add3A_983, %shift_right_logical3A_988 : vector<16xi32>
          %and3A_990 = arith.constant 127 : i32
          %and3A_991 = vector.broadcast %and3A_990 : i32 to vector<16xi32>
          %and3A_992 = arith.andi %add3A_983, %and3A_991 : vector<16xi32>
          %gather3A_993 = tpu.vector_load_idx %arg6[%shift_right_logical3A_989, %and3A_992] : memref<200x128xi32, #tpu.memory_space<vmem>>[vector<16xi32>, vector<16xi32>], vector<16xi32>,
          %shift_right_logical3A_994 = arith.constant 7 : i32
          %shift_right_logical3A_995 = vector.broadcast %shift_right_logical3A_994 : i32 to vector<16xi32>
          %shift_right_logical3A_996 = arith.shrui %add3A_986, %shift_right_logical3A_995 : vector<16xi32>
          %and3A_997 = arith.constant 127 : i32
          %and3A_998 = vector.broadcast %and3A_997 : i32 to vector<16xi32>
          %and3A_999 = arith.andi %add3A_986, %and3A_998 : vector<16xi32>
          %gather3A_1000 = tpu.vector_load_idx %arg6[%shift_right_logical3A_996, %and3A_999] : memref<200x128xi32, #tpu.memory_space<vmem>>[vector<16xi32>, vector<16xi32>], vector<16xi32>,
          %mul3A_1001 = arith.constant 81 : i32
          %mul3A_1002 = vector.broadcast %mul3A_1001 : i32 to vector<16xi32>
          %mul3A_1003 = arith.muli %gather3A_993, %mul3A_1002 : vector<16xi32>
          %add3A_1004 = arith.addi %mul3A_1003, %gather3A_1000 : vector<16xi32>
          %and3A_1005 = arith.constant 3 : i32
          %and3A_1006 = arith.andi %add3A_973, %and3A_1005 : i32
          %swap3A_1007 = arith.index_cast %and3A_1006 : i32 to index
          %swap3A_1008 = arith.constant 0 : index
          %swap3A_1009 = tpu.vector_load %arg7[%swap3A_1007, %swap3A_1008] {strides = array<i32>} : memref<4x128xi32, #tpu.memory_space<vmem>>, vector<16xi32>,
          tpu.vector_store %arg7[%swap3A_1007, %swap3A_1008], %add3A_1004 {strides = array<i32>} : memref<4x128xi32, #tpu.memory_space<vmem>>, vector<16xi32>,
          %add3A_1010 = arith.constant 16 : i32
          %add3A_1011 = vector.broadcast %add3A_1010 : i32 to vector<16xi32>
          %add3A_1012 = arith.addi %add3A_1011, %iota3A : vector<16xi32>
          %mul3A_1013 = arith.constant 200 : i32
          %mul3A_1014 = vector.broadcast %mul3A_1013 : i32 to vector<16xi32>
          %mul3A_1015 = arith.muli %add3A_1012, %mul3A_1014 : vector<16xi32>
          %mul3A_1016 = arith.constant 2 : i32
          %mul3A_1017 = arith.muli %mul3A_1016, %add3A_973 : i32
          %add3A_1018 = vector.broadcast %mul3A_1017 : i32 to vector<16xi32>
          %add3A_1019 = arith.addi %mul3A_1015, %add3A_1018 : vector<16xi32>
          %add3A_1020 = arith.constant 1 : i32
          %add3A_1021 = vector.broadcast %add3A_1020 : i32 to vector<16xi32>
          %add3A_1022 = arith.addi %add3A_1019, %add3A_1021 : vector<16xi32>
          %shift_right_logical3A_1023 = arith.constant 7 : i32
          %shift_right_logical3A_1024 = vector.broadcast %shift_right_logical3A_1023 : i32 to vector<16xi32>
          %shift_right_logical3A_1025 = arith.shrui %add3A_1019, %shift_right_logical3A_1024 : vector<16xi32>
          %and3A_1026 = arith.constant 127 : i32
          %and3A_1027 = vector.broadcast %and3A_1026 : i32 to vector<16xi32>
          %and3A_1028 = arith.andi %add3A_1019, %and3A_1027 : vector<16xi32>
          %gather3A_1029 = tpu.vector_load_idx %arg6[%shift_right_logical3A_1025, %and3A_1028] : memref<200x128xi32, #tpu.memory_space<vmem>>[vector<16xi32>, vector<16xi32>], vector<16xi32>,
          %shift_right_logical3A_1030 = arith.constant 7 : i32
          %shift_right_logical3A_1031 = vector.broadcast %shift_right_logical3A_1030 : i32 to vector<16xi32>
          %shift_right_logical3A_1032 = arith.shrui %add3A_1022, %shift_right_logical3A_1031 : vector<16xi32>
          %and3A_1033 = arith.constant 127 : i32
          %and3A_1034 = vector.broadcast %and3A_1033 : i32 to vector<16xi32>
          %and3A_1035 = arith.andi %add3A_1022, %and3A_1034 : vector<16xi32>
          %gather3A_1036 = tpu.vector_load_idx %arg6[%shift_right_logical3A_1032, %and3A_1035] : memref<200x128xi32, #tpu.memory_space<vmem>>[vector<16xi32>, vector<16xi32>], vector<16xi32>,
          %mul3A_1037 = arith.constant 81 : i32
          %mul3A_1038 = vector.broadcast %mul3A_1037 : i32 to vector<16xi32>
          %mul3A_1039 = arith.muli %gather3A_1029, %mul3A_1038 : vector<16xi32>
          %add3A_1040 = arith.addi %mul3A_1039, %gather3A_1036 : vector<16xi32>
          %and3A_1041 = arith.constant 3 : i32
          %and3A_1042 = arith.andi %add3A_973, %and3A_1041 : i32
          %swap3A_1043 = arith.index_cast %and3A_1042 : i32 to index
          %swap3A_1044 = arith.constant 16 : index
          %swap3A_1045 = tpu.vector_load %arg7[%swap3A_1043, %swap3A_1044] {strides = array<i32>} : memref<4x128xi32, #tpu.memory_space<vmem>>, vector<16xi32>,
          tpu.vector_store %arg7[%swap3A_1043, %swap3A_1044], %add3A_1040 {strides = array<i32>} : memref<4x128xi32, #tpu.memory_space<vmem>>, vector<16xi32>,
          %add3A_1046 = arith.constant 32 : i32
          %add3A_1047 = vector.broadcast %add3A_1046 : i32 to vector<16xi32>
          %add3A_1048 = arith.addi %add3A_1047, %iota3A : vector<16xi32>
          %mul3A_1049 = arith.constant 200 : i32
          %mul3A_1050 = vector.broadcast %mul3A_1049 : i32 to vector<16xi32>
          %mul3A_1051 = arith.muli %add3A_1048, %mul3A_1050 : vector<16xi32>
          %mul3A_1052 = arith.constant 2 : i32
          %mul3A_1053 = arith.muli %mul3A_1052, %add3A_973 : i32
          %add3A_1054 = vector.broadcast %mul3A_1053 : i32 to vector<16xi32>
          %add3A_1055 = arith.addi %mul3A_1051, %add3A_1054 : vector<16xi32>
          %add3A_1056 = arith.constant 1 : i32
          %add3A_1057 = vector.broadcast %add3A_1056 : i32 to vector<16xi32>
          %add3A_1058 = arith.addi %add3A_1055, %add3A_1057 : vector<16xi32>
          %shift_right_logical3A_1059 = arith.constant 7 : i32
          %shift_right_logical3A_1060 = vector.broadcast %shift_right_logical3A_1059 : i32 to vector<16xi32>
          %shift_right_logical3A_1061 = arith.shrui %add3A_1055, %shift_right_logical3A_1060 : vector<16xi32>
          %and3A_1062 = arith.constant 127 : i32
          %and3A_1063 = vector.broadcast %and3A_1062 : i32 to vector<16xi32>
          %and3A_1064 = arith.andi %add3A_1055, %and3A_1063 : vector<16xi32>
          %gather3A_1065 = tpu.vector_load_idx %arg6[%shift_right_logical3A_1061, %and3A_1064] : memref<200x128xi32, #tpu.memory_space<vmem>>[vector<16xi32>, vector<16xi32>], vector<16xi32>,
          %shift_right_logical3A_1066 = arith.constant 7 : i32
          %shift_right_logical3A_1067 = vector.broadcast %shift_right_logical3A_1066 : i32 to vector<16xi32>
          %shift_right_logical3A_1068 = arith.shrui %add3A_1058, %shift_right_logical3A_1067 : vector<16xi32>
          %and3A_1069 = arith.constant 127 : i32
          %and3A_1070 = vector.broadcast %and3A_1069 : i32 to vector<16xi32>
          %and3A_1071 = arith.andi %add3A_1058, %and3A_1070 : vector<16xi32>
          %gather3A_1072 = tpu.vector_load_idx %arg6[%shift_right_logical3A_1068, %and3A_1071] : memref<200x128xi32, #tpu.memory_space<vmem>>[vector<16xi32>, vector<16xi32>], vector<16xi32>,
          %mul3A_1073 = arith.constant 81 : i32
          %mul3A_1074 = vector.broadcast %mul3A_1073 : i32 to vector<16xi32>
          %mul3A_1075 = arith.muli %gather3A_1065, %mul3A_1074 : vector<16xi32>
          %add3A_1076 = arith.addi %mul3A_1075, %gather3A_1072 : vector<16xi32>
          %and3A_1077 = arith.constant 3 : i32
          %and3A_1078 = arith.andi %add3A_973, %and3A_1077 : i32
          %swap3A_1079 = arith.index_cast %and3A_1078 : i32 to index
          %swap3A_1080 = arith.constant 32 : index
          %swap3A_1081 = tpu.vector_load %arg7[%swap3A_1079, %swap3A_1080] {strides = array<i32>} : memref<4x128xi32, #tpu.memory_space<vmem>>, vector<16xi32>,
          tpu.vector_store %arg7[%swap3A_1079, %swap3A_1080], %add3A_1076 {strides = array<i32>} : memref<4x128xi32, #tpu.memory_space<vmem>>, vector<16xi32>,
          %add3A_1082 = arith.constant 48 : i32
          %add3A_1083 = vector.broadcast %add3A_1082 : i32 to vector<16xi32>
          %add3A_1084 = arith.addi %add3A_1083, %iota3A : vector<16xi32>
          %mul3A_1085 = arith.constant 200 : i32
          %mul3A_1086 = vector.broadcast %mul3A_1085 : i32 to vector<16xi32>
          %mul3A_1087 = arith.muli %add3A_1084, %mul3A_1086 : vector<16xi32>
          %mul3A_1088 = arith.constant 2 : i32
          %mul3A_1089 = arith.muli %mul3A_1088, %add3A_973 : i32
          %add3A_1090 = vector.broadcast %mul3A_1089 : i32 to vector<16xi32>
          %add3A_1091 = arith.addi %mul3A_1087, %add3A_1090 : vector<16xi32>
          %add3A_1092 = arith.constant 1 : i32
          %add3A_1093 = vector.broadcast %add3A_1092 : i32 to vector<16xi32>
          %add3A_1094 = arith.addi %add3A_1091, %add3A_1093 : vector<16xi32>
          %shift_right_logical3A_1095 = arith.constant 7 : i32
          %shift_right_logical3A_1096 = vector.broadcast %shift_right_logical3A_1095 : i32 to vector<16xi32>
          %shift_right_logical3A_1097 = arith.shrui %add3A_1091, %shift_right_logical3A_1096 : vector<16xi32>
          %and3A_1098 = arith.constant 127 : i32
          %and3A_1099 = vector.broadcast %and3A_1098 : i32 to vector<16xi32>
          %and3A_1100 = arith.andi %add3A_1091, %and3A_1099 : vector<16xi32>
          %gather3A_1101 = tpu.vector_load_idx %arg6[%shift_right_logical3A_1097, %and3A_1100] : memref<200x128xi32, #tpu.memory_space<vmem>>[vector<16xi32>, vector<16xi32>], vector<16xi32>,
          %shift_right_logical3A_1102 = arith.constant 7 : i32
          %shift_right_logical3A_1103 = vector.broadcast %shift_right_logical3A_1102 : i32 to vector<16xi32>
          %shift_right_logical3A_1104 = arith.shrui %add3A_1094, %shift_right_logical3A_1103 : vector<16xi32>
          %and3A_1105 = arith.constant 127 : i32
          %and3A_1106 = vector.broadcast %and3A_1105 : i32 to vector<16xi32>
          %and3A_1107 = arith.andi %add3A_1094, %and3A_1106 : vector<16xi32>
          %gather3A_1108 = tpu.vector_load_idx %arg6[%shift_right_logical3A_1104, %and3A_1107] : memref<200x128xi32, #tpu.memory_space<vmem>>[vector<16xi32>, vector<16xi32>], vector<16xi32>,
          %mul3A_1109 = arith.constant 81 : i32
          %mul3A_1110 = vector.broadcast %mul3A_1109 : i32 to vector<16xi32>
          %mul3A_1111 = arith.muli %gather3A_1101, %mul3A_1110 : vector<16xi32>
          %add3A_1112 = arith.addi %mul3A_1111, %gather3A_1108 : vector<16xi32>
          %and3A_1113 = arith.constant 3 : i32
          %and3A_1114 = arith.andi %add3A_973, %and3A_1113 : i32
          %swap3A_1115 = arith.index_cast %and3A_1114 : i32 to index
          %swap3A_1116 = arith.constant 48 : index
          %swap3A_1117 = tpu.vector_load %arg7[%swap3A_1115, %swap3A_1116] {strides = array<i32>} : memref<4x128xi32, #tpu.memory_space<vmem>>, vector<16xi32>,
          tpu.vector_store %arg7[%swap3A_1115, %swap3A_1116], %add3A_1112 {strides = array<i32>} : memref<4x128xi32, #tpu.memory_space<vmem>>, vector<16xi32>,
          %add3A_1118 = arith.constant 64 : i32
          %add3A_1119 = vector.broadcast %add3A_1118 : i32 to vector<16xi32>
          %add3A_1120 = arith.addi %add3A_1119, %iota3A : vector<16xi32>
          %mul3A_1121 = arith.constant 200 : i32
          %mul3A_1122 = vector.broadcast %mul3A_1121 : i32 to vector<16xi32>
          %mul3A_1123 = arith.muli %add3A_1120, %mul3A_1122 : vector<16xi32>
          %mul3A_1124 = arith.constant 2 : i32
          %mul3A_1125 = arith.muli %mul3A_1124, %add3A_973 : i32
          %add3A_1126 = vector.broadcast %mul3A_1125 : i32 to vector<16xi32>
          %add3A_1127 = arith.addi %mul3A_1123, %add3A_1126 : vector<16xi32>
          %add3A_1128 = arith.constant 1 : i32
          %add3A_1129 = vector.broadcast %add3A_1128 : i32 to vector<16xi32>
          %add3A_1130 = arith.addi %add3A_1127, %add3A_1129 : vector<16xi32>
          %shift_right_logical3A_1131 = arith.constant 7 : i32
          %shift_right_logical3A_1132 = vector.broadcast %shift_right_logical3A_1131 : i32 to vector<16xi32>
          %shift_right_logical3A_1133 = arith.shrui %add3A_1127, %shift_right_logical3A_1132 : vector<16xi32>
          %and3A_1134 = arith.constant 127 : i32
          %and3A_1135 = vector.broadcast %and3A_1134 : i32 to vector<16xi32>
          %and3A_1136 = arith.andi %add3A_1127, %and3A_1135 : vector<16xi32>
          %gather3A_1137 = tpu.vector_load_idx %arg6[%shift_right_logical3A_1133, %and3A_1136] : memref<200x128xi32, #tpu.memory_space<vmem>>[vector<16xi32>, vector<16xi32>], vector<16xi32>,
          %shift_right_logical3A_1138 = arith.constant 7 : i32
          %shift_right_logical3A_1139 = vector.broadcast %shift_right_logical3A_1138 : i32 to vector<16xi32>
          %shift_right_logical3A_1140 = arith.shrui %add3A_1130, %shift_right_logical3A_1139 : vector<16xi32>
          %and3A_1141 = arith.constant 127 : i32
          %and3A_1142 = vector.broadcast %and3A_1141 : i32 to vector<16xi32>
          %and3A_1143 = arith.andi %add3A_1130, %and3A_1142 : vector<16xi32>
          %gather3A_1144 = tpu.vector_load_idx %arg6[%shift_right_logical3A_1140, %and3A_1143] : memref<200x128xi32, #tpu.memory_space<vmem>>[vector<16xi32>, vector<16xi32>], vector<16xi32>,
          %mul3A_1145 = arith.constant 81 : i32
          %mul3A_1146 = vector.broadcast %mul3A_1145 : i32 to vector<16xi32>
          %mul3A_1147 = arith.muli %gather3A_1137, %mul3A_1146 : vector<16xi32>
          %add3A_1148 = arith.addi %mul3A_1147, %gather3A_1144 : vector<16xi32>
          %and3A_1149 = arith.constant 3 : i32
          %and3A_1150 = arith.andi %add3A_973, %and3A_1149 : i32
          %swap3A_1151 = arith.index_cast %and3A_1150 : i32 to index
          %swap3A_1152 = arith.constant 64 : index
          %swap3A_1153 = tpu.vector_load %arg7[%swap3A_1151, %swap3A_1152] {strides = array<i32>} : memref<4x128xi32, #tpu.memory_space<vmem>>, vector<16xi32>,
          tpu.vector_store %arg7[%swap3A_1151, %swap3A_1152], %add3A_1148 {strides = array<i32>} : memref<4x128xi32, #tpu.memory_space<vmem>>, vector<16xi32>,
          %add3A_1154 = arith.constant 80 : i32
          %add3A_1155 = vector.broadcast %add3A_1154 : i32 to vector<16xi32>
          %add3A_1156 = arith.addi %add3A_1155, %iota3A : vector<16xi32>
          %mul3A_1157 = arith.constant 200 : i32
          %mul3A_1158 = vector.broadcast %mul3A_1157 : i32 to vector<16xi32>
          %mul3A_1159 = arith.muli %add3A_1156, %mul3A_1158 : vector<16xi32>
          %mul3A_1160 = arith.constant 2 : i32
          %mul3A_1161 = arith.muli %mul3A_1160, %add3A_973 : i32
          %add3A_1162 = vector.broadcast %mul3A_1161 : i32 to vector<16xi32>
          %add3A_1163 = arith.addi %mul3A_1159, %add3A_1162 : vector<16xi32>
          %add3A_1164 = arith.constant 1 : i32
          %add3A_1165 = vector.broadcast %add3A_1164 : i32 to vector<16xi32>
          %add3A_1166 = arith.addi %add3A_1163, %add3A_1165 : vector<16xi32>
          %shift_right_logical3A_1167 = arith.constant 7 : i32
          %shift_right_logical3A_1168 = vector.broadcast %shift_right_logical3A_1167 : i32 to vector<16xi32>
          %shift_right_logical3A_1169 = arith.shrui %add3A_1163, %shift_right_logical3A_1168 : vector<16xi32>
          %and3A_1170 = arith.constant 127 : i32
          %and3A_1171 = vector.broadcast %and3A_1170 : i32 to vector<16xi32>
          %and3A_1172 = arith.andi %add3A_1163, %and3A_1171 : vector<16xi32>
          %gather3A_1173 = tpu.vector_load_idx %arg6[%shift_right_logical3A_1169, %and3A_1172] : memref<200x128xi32, #tpu.memory_space<vmem>>[vector<16xi32>, vector<16xi32>], vector<16xi32>,
          %shift_right_logical3A_1174 = arith.constant 7 : i32
          %shift_right_logical3A_1175 = vector.broadcast %shift_right_logical3A_1174 : i32 to vector<16xi32>
          %shift_right_logical3A_1176 = arith.shrui %add3A_1166, %shift_right_logical3A_1175 : vector<16xi32>
          %and3A_1177 = arith.constant 127 : i32
          %and3A_1178 = vector.broadcast %and3A_1177 : i32 to vector<16xi32>
          %and3A_1179 = arith.andi %add3A_1166, %and3A_1178 : vector<16xi32>
          %gather3A_1180 = tpu.vector_load_idx %arg6[%shift_right_logical3A_1176, %and3A_1179] : memref<200x128xi32, #tpu.memory_space<vmem>>[vector<16xi32>, vector<16xi32>], vector<16xi32>,
          %mul3A_1181 = arith.constant 81 : i32
          %mul3A_1182 = vector.broadcast %mul3A_1181 : i32 to vector<16xi32>
          %mul3A_1183 = arith.muli %gather3A_1173, %mul3A_1182 : vector<16xi32>
          %add3A_1184 = arith.addi %mul3A_1183, %gather3A_1180 : vector<16xi32>
          %and3A_1185 = arith.constant 3 : i32
          %and3A_1186 = arith.andi %add3A_973, %and3A_1185 : i32
          %swap3A_1187 = arith.index_cast %and3A_1186 : i32 to index
          %swap3A_1188 = arith.constant 80 : index
          %swap3A_1189 = tpu.vector_load %arg7[%swap3A_1187, %swap3A_1188] {strides = array<i32>} : memref<4x128xi32, #tpu.memory_space<vmem>>, vector<16xi32>,
          tpu.vector_store %arg7[%swap3A_1187, %swap3A_1188], %add3A_1184 {strides = array<i32>} : memref<4x128xi32, #tpu.memory_space<vmem>>, vector<16xi32>,
          %add3A_1190 = arith.constant 96 : i32
          %add3A_1191 = vector.broadcast %add3A_1190 : i32 to vector<16xi32>
          %add3A_1192 = arith.addi %add3A_1191, %iota3A : vector<16xi32>
          %mul3A_1193 = arith.constant 200 : i32
          %mul3A_1194 = vector.broadcast %mul3A_1193 : i32 to vector<16xi32>
          %mul3A_1195 = arith.muli %add3A_1192, %mul3A_1194 : vector<16xi32>
          %mul3A_1196 = arith.constant 2 : i32
          %mul3A_1197 = arith.muli %mul3A_1196, %add3A_973 : i32
          %add3A_1198 = vector.broadcast %mul3A_1197 : i32 to vector<16xi32>
          %add3A_1199 = arith.addi %mul3A_1195, %add3A_1198 : vector<16xi32>
          %add3A_1200 = arith.constant 1 : i32
          %add3A_1201 = vector.broadcast %add3A_1200 : i32 to vector<16xi32>
          %add3A_1202 = arith.addi %add3A_1199, %add3A_1201 : vector<16xi32>
          %shift_right_logical3A_1203 = arith.constant 7 : i32
          %shift_right_logical3A_1204 = vector.broadcast %shift_right_logical3A_1203 : i32 to vector<16xi32>
          %shift_right_logical3A_1205 = arith.shrui %add3A_1199, %shift_right_logical3A_1204 : vector<16xi32>
          %and3A_1206 = arith.constant 127 : i32
          %and3A_1207 = vector.broadcast %and3A_1206 : i32 to vector<16xi32>
          %and3A_1208 = arith.andi %add3A_1199, %and3A_1207 : vector<16xi32>
          %gather3A_1209 = tpu.vector_load_idx %arg6[%shift_right_logical3A_1205, %and3A_1208] : memref<200x128xi32, #tpu.memory_space<vmem>>[vector<16xi32>, vector<16xi32>], vector<16xi32>,
          %shift_right_logical3A_1210 = arith.constant 7 : i32
          %shift_right_logical3A_1211 = vector.broadcast %shift_right_logical3A_1210 : i32 to vector<16xi32>
          %shift_right_logical3A_1212 = arith.shrui %add3A_1202, %shift_right_logical3A_1211 : vector<16xi32>
          %and3A_1213 = arith.constant 127 : i32
          %and3A_1214 = vector.broadcast %and3A_1213 : i32 to vector<16xi32>
          %and3A_1215 = arith.andi %add3A_1202, %and3A_1214 : vector<16xi32>
          %gather3A_1216 = tpu.vector_load_idx %arg6[%shift_right_logical3A_1212, %and3A_1215] : memref<200x128xi32, #tpu.memory_space<vmem>>[vector<16xi32>, vector<16xi32>], vector<16xi32>,
          %mul3A_1217 = arith.constant 81 : i32
          %mul3A_1218 = vector.broadcast %mul3A_1217 : i32 to vector<16xi32>
          %mul3A_1219 = arith.muli %gather3A_1209, %mul3A_1218 : vector<16xi32>
          %add3A_1220 = arith.addi %mul3A_1219, %gather3A_1216 : vector<16xi32>
          %and3A_1221 = arith.constant 3 : i32
          %and3A_1222 = arith.andi %add3A_973, %and3A_1221 : i32
          %swap3A_1223 = arith.index_cast %and3A_1222 : i32 to index
          %swap3A_1224 = arith.constant 96 : index
          %swap3A_1225 = tpu.vector_load %arg7[%swap3A_1223, %swap3A_1224] {strides = array<i32>} : memref<4x128xi32, #tpu.memory_space<vmem>>, vector<16xi32>,
          tpu.vector_store %arg7[%swap3A_1223, %swap3A_1224], %add3A_1220 {strides = array<i32>} : memref<4x128xi32, #tpu.memory_space<vmem>>, vector<16xi32>,
          %add3A_1226 = arith.constant 112 : i32
          %add3A_1227 = vector.broadcast %add3A_1226 : i32 to vector<16xi32>
          %add3A_1228 = arith.addi %add3A_1227, %iota3A : vector<16xi32>
          %mul3A_1229 = arith.constant 200 : i32
          %mul3A_1230 = vector.broadcast %mul3A_1229 : i32 to vector<16xi32>
          %mul3A_1231 = arith.muli %add3A_1228, %mul3A_1230 : vector<16xi32>
          %mul3A_1232 = arith.constant 2 : i32
          %mul3A_1233 = arith.muli %mul3A_1232, %add3A_973 : i32
          %add3A_1234 = vector.broadcast %mul3A_1233 : i32 to vector<16xi32>
          %add3A_1235 = arith.addi %mul3A_1231, %add3A_1234 : vector<16xi32>
          %add3A_1236 = arith.constant 1 : i32
          %add3A_1237 = vector.broadcast %add3A_1236 : i32 to vector<16xi32>
          %add3A_1238 = arith.addi %add3A_1235, %add3A_1237 : vector<16xi32>
          %shift_right_logical3A_1239 = arith.constant 7 : i32
          %shift_right_logical3A_1240 = vector.broadcast %shift_right_logical3A_1239 : i32 to vector<16xi32>
          %shift_right_logical3A_1241 = arith.shrui %add3A_1235, %shift_right_logical3A_1240 : vector<16xi32>
          %and3A_1242 = arith.constant 127 : i32
          %and3A_1243 = vector.broadcast %and3A_1242 : i32 to vector<16xi32>
          %and3A_1244 = arith.andi %add3A_1235, %and3A_1243 : vector<16xi32>
          %gather3A_1245 = tpu.vector_load_idx %arg6[%shift_right_logical3A_1241, %and3A_1244] : memref<200x128xi32, #tpu.memory_space<vmem>>[vector<16xi32>, vector<16xi32>], vector<16xi32>,
          %shift_right_logical3A_1246 = arith.constant 7 : i32
          %shift_right_logical3A_1247 = vector.broadcast %shift_right_logical3A_1246 : i32 to vector<16xi32>
          %shift_right_logical3A_1248 = arith.shrui %add3A_1238, %shift_right_logical3A_1247 : vector<16xi32>
          %and3A_1249 = arith.constant 127 : i32
          %and3A_1250 = vector.broadcast %and3A_1249 : i32 to vector<16xi32>
          %and3A_1251 = arith.andi %add3A_1238, %and3A_1250 : vector<16xi32>
          %gather3A_1252 = tpu.vector_load_idx %arg6[%shift_right_logical3A_1248, %and3A_1251] : memref<200x128xi32, #tpu.memory_space<vmem>>[vector<16xi32>, vector<16xi32>], vector<16xi32>,
          %mul3A_1253 = arith.constant 81 : i32
          %mul3A_1254 = vector.broadcast %mul3A_1253 : i32 to vector<16xi32>
          %mul3A_1255 = arith.muli %gather3A_1245, %mul3A_1254 : vector<16xi32>
          %add3A_1256 = arith.addi %mul3A_1255, %gather3A_1252 : vector<16xi32>
          %and3A_1257 = arith.constant 3 : i32
          %and3A_1258 = arith.andi %add3A_973, %and3A_1257 : i32
          %swap3A_1259 = arith.index_cast %and3A_1258 : i32 to index
          %swap3A_1260 = arith.constant 112 : index
          %swap3A_1261 = tpu.vector_load %arg7[%swap3A_1259, %swap3A_1260] {strides = array<i32>} : memref<4x128xi32, #tpu.memory_space<vmem>>, vector<16xi32>,
          tpu.vector_store %arg7[%swap3A_1259, %swap3A_1260], %add3A_1256 {strides = array<i32>} : memref<4x128xi32, #tpu.memory_space<vmem>>, vector<16xi32>,
        } else {
        }
        %dma_wait3A_894 = arith.constant 0 : i32
        %dma_wait3A_895 = tpu.memref_slice %arg7[%and3A_881, %dma_wait3A_894] : memref<4x128xi32, #tpu.memory_space<vmem>> -> memref<1x128xi32, #tpu.memory_space<vmem>>
        %dma_wait3A_896 = tpu.memref_squeeze %dma_wait3A_895 : memref<1x128xi32, #tpu.memory_space<vmem>> -> memref<128xi32, #tpu.memory_space<vmem>>
        %dma_wait3A_897 = arith.constant 0 : i32
        %dma_wait3A_898 = arith.constant 0 : i32
        %dma_wait3A_899 = tpu.memref_slice %arg5[%dma_wait3A_897, %dma_wait3A_898] : memref<6561x128xf32, #tpu.memory_space<vmem_shared>> -> memref<6561x128xf32, #tpu.memory_space<vmem_shared>>
        tpu.wait_indirect_dma semaphore(%arg11 : memref<!tpu.dma_semaphore, #tpu.memory_space<semaphore_mem>>) src(%dma_wait3A_899 : memref<6561x128xf32, #tpu.memory_space<vmem_shared>>) dst(%arg8 : memref<128x128xf32, #tpu.memory_space<vmem>>)
        %mul3A_900 = arith.constant 128 : i32
        %mul3A_901 = arith.muli %add3A_877, %mul3A_900 : i32
        %dma_start3A_902 = tpu.memref_slice %arg4[%add3A_834, %mul3A_901] : memref<16384x12800xf32, #tpu.memory_space<hbm>> -> memref<128x128xf32, #tpu.memory_space<hbm>>
        %dma_start3A_903 = tpu.memref_slice %arg4[%add3A_834, %mul3A_901] : memref<16384x12800xf32, #tpu.memory_space<hbm>> -> memref<128x128xf32, #tpu.memory_space<hbm>>
        tpu.enqueue_dma source(%arg8 : memref<128x128xf32, #tpu.memory_space<vmem>>) target(%dma_start3A_903 : memref<128x128xf32, #tpu.memory_space<hbm>>) target_semaphore(%arg12 : memref<!tpu.dma_semaphore, #tpu.memory_space<semaphore_mem>>)
        %mul3A_904 = arith.constant 3 : i32
        %mul3A_905 = arith.muli %mul3A_904, %scan3A_873 : i32
        %add3A_906 = arith.constant 1 : i32
        %add3A_907 = arith.addi %mul3A_905, %add3A_906 : i32
        %gt3A_908 = arith.constant 0 : i32
        %gt3A_909 = arith.cmpi sgt, %scan3A_873, %gt3A_908 : i32
        %convert_element_type3A_910 = arith.extui %gt3A_909 : i1 to i32
        %cond3A_911 = arith.constant 0 : i32
        %cond3A_912 = arith.cmpi ne, %convert_element_type3A_910, %cond3A_911 : i32
        scf.if %cond3A_912 {
          %sub3A = arith.constant 3 : i32
          %sub3A_972 = arith.subi %add3A_907, %sub3A : i32
          %mul3A_973 = arith.constant 128 : i32
          %mul3A_974 = arith.muli %sub3A_972, %mul3A_973 : i32
          %dma_wait3A_975 = tpu.memref_slice %arg4[%add3A_834, %mul3A_974] : memref<16384x12800xf32, #tpu.memory_space<hbm>> -> memref<128x128xf32, #tpu.memory_space<hbm>>
          %dma_wait3A_976 = tpu.memref_slice %arg4[%add3A_834, %mul3A_974] : memref<16384x12800xf32, #tpu.memory_space<hbm>> -> memref<128x128xf32, #tpu.memory_space<hbm>>
          tpu.wait_dma2 semaphore(%arg13 : memref<!tpu.dma_semaphore, #tpu.memory_space<semaphore_mem>>) src(%arg9 : memref<128x128xf32, #tpu.memory_space<vmem>>) dst(%dma_wait3A_976 : memref<128x128xf32, #tpu.memory_space<hbm>>)
        } else {
        }
        %and3A_913 = arith.constant 3 : i32
        %and3A_914 = arith.andi %add3A_907, %and3A_913 : i32
        %dma_start3A_915 = arith.constant 0 : i32
        %dma_start3A_916 = tpu.memref_slice %arg7[%and3A_914, %dma_start3A_915] : memref<4x128xi32, #tpu.memory_space<vmem>> -> memref<1x128xi32, #tpu.memory_space<vmem>>
        %dma_start3A_917 = tpu.memref_squeeze %dma_start3A_916 : memref<1x128xi32, #tpu.memory_space<vmem>> -> memref<128xi32, #tpu.memory_space<vmem>>
        %dma_start3A_918 = arith.constant 0 : i32
        %dma_start3A_919 = arith.constant 0 : i32
        %dma_start3A_920 = tpu.memref_slice %arg5[%dma_start3A_918, %dma_start3A_919] : memref<6561x128xf32, #tpu.memory_space<vmem_shared>> -> memref<6561x128xf32, #tpu.memory_space<vmem_shared>>
        tpu.enqueue_indirect_dma source(%dma_start3A_920 : memref<6561x128xf32, #tpu.memory_space<vmem_shared>>) target(%arg9 : memref<128x128xf32, #tpu.memory_space<vmem>>) offsets(%dma_start3A_917 : memref<128xi32, #tpu.memory_space<vmem>>) semaphore(%arg11 : memref<!tpu.dma_semaphore, #tpu.memory_space<semaphore_mem>>)
        %add3A_921 = arith.constant 3 : i32
        %add3A_922 = arith.addi %add3A_907, %add3A_921 : i32
        %lt3A_923 = arith.constant 100 : i32
        %lt3A_924 = arith.cmpi slt, %add3A_922, %lt3A_923 : i32
        %convert_element_type3A_925 = arith.extui %lt3A_924 : i1 to i32
        %cond3A_926 = arith.constant 0 : i32
        %cond3A_927 = arith.cmpi ne, %convert_element_type3A_925, %cond3A_926 : i32
        scf.if %cond3A_927 {
          %add3A_972 = arith.constant 3 : i32
          %add3A_973 = arith.addi %add3A_907, %add3A_972 : i32
          %add3A_974 = arith.constant 0 : i32
          %add3A_975 = vector.broadcast %add3A_974 : i32 to vector<16xi32>
          %add3A_976 = arith.addi %add3A_975, %iota3A : vector<16xi32>
          %mul3A_977 = arith.constant 200 : i32
          %mul3A_978 = vector.broadcast %mul3A_977 : i32 to vector<16xi32>
          %mul3A_979 = arith.muli %add3A_976, %mul3A_978 : vector<16xi32>
          %mul3A_980 = arith.constant 2 : i32
          %mul3A_981 = arith.muli %mul3A_980, %add3A_973 : i32
          %add3A_982 = vector.broadcast %mul3A_981 : i32 to vector<16xi32>
          %add3A_983 = arith.addi %mul3A_979, %add3A_982 : vector<16xi32>
          %add3A_984 = arith.constant 1 : i32
          %add3A_985 = vector.broadcast %add3A_984 : i32 to vector<16xi32>
          %add3A_986 = arith.addi %add3A_983, %add3A_985 : vector<16xi32>
          %shift_right_logical3A_987 = arith.constant 7 : i32
          %shift_right_logical3A_988 = vector.broadcast %shift_right_logical3A_987 : i32 to vector<16xi32>
          %shift_right_logical3A_989 = arith.shrui %add3A_983, %shift_right_logical3A_988 : vector<16xi32>
          %and3A_990 = arith.constant 127 : i32
          %and3A_991 = vector.broadcast %and3A_990 : i32 to vector<16xi32>
          %and3A_992 = arith.andi %add3A_983, %and3A_991 : vector<16xi32>
          %gather3A_993 = tpu.vector_load_idx %arg6[%shift_right_logical3A_989, %and3A_992] : memref<200x128xi32, #tpu.memory_space<vmem>>[vector<16xi32>, vector<16xi32>], vector<16xi32>,
          %shift_right_logical3A_994 = arith.constant 7 : i32
          %shift_right_logical3A_995 = vector.broadcast %shift_right_logical3A_994 : i32 to vector<16xi32>
          %shift_right_logical3A_996 = arith.shrui %add3A_986, %shift_right_logical3A_995 : vector<16xi32>
          %and3A_997 = arith.constant 127 : i32
          %and3A_998 = vector.broadcast %and3A_997 : i32 to vector<16xi32>
          %and3A_999 = arith.andi %add3A_986, %and3A_998 : vector<16xi32>
          %gather3A_1000 = tpu.vector_load_idx %arg6[%shift_right_logical3A_996, %and3A_999] : memref<200x128xi32, #tpu.memory_space<vmem>>[vector<16xi32>, vector<16xi32>], vector<16xi32>,
          %mul3A_1001 = arith.constant 81 : i32
          %mul3A_1002 = vector.broadcast %mul3A_1001 : i32 to vector<16xi32>
          %mul3A_1003 = arith.muli %gather3A_993, %mul3A_1002 : vector<16xi32>
          %add3A_1004 = arith.addi %mul3A_1003, %gather3A_1000 : vector<16xi32>
          %and3A_1005 = arith.constant 3 : i32
          %and3A_1006 = arith.andi %add3A_973, %and3A_1005 : i32
          %swap3A_1007 = arith.index_cast %and3A_1006 : i32 to index
          %swap3A_1008 = arith.constant 0 : index
          %swap3A_1009 = tpu.vector_load %arg7[%swap3A_1007, %swap3A_1008] {strides = array<i32>} : memref<4x128xi32, #tpu.memory_space<vmem>>, vector<16xi32>,
          tpu.vector_store %arg7[%swap3A_1007, %swap3A_1008], %add3A_1004 {strides = array<i32>} : memref<4x128xi32, #tpu.memory_space<vmem>>, vector<16xi32>,
          %add3A_1010 = arith.constant 16 : i32
          %add3A_1011 = vector.broadcast %add3A_1010 : i32 to vector<16xi32>
          %add3A_1012 = arith.addi %add3A_1011, %iota3A : vector<16xi32>
          %mul3A_1013 = arith.constant 200 : i32
          %mul3A_1014 = vector.broadcast %mul3A_1013 : i32 to vector<16xi32>
          %mul3A_1015 = arith.muli %add3A_1012, %mul3A_1014 : vector<16xi32>
          %mul3A_1016 = arith.constant 2 : i32
          %mul3A_1017 = arith.muli %mul3A_1016, %add3A_973 : i32
          %add3A_1018 = vector.broadcast %mul3A_1017 : i32 to vector<16xi32>
          %add3A_1019 = arith.addi %mul3A_1015, %add3A_1018 : vector<16xi32>
          %add3A_1020 = arith.constant 1 : i32
          %add3A_1021 = vector.broadcast %add3A_1020 : i32 to vector<16xi32>
          %add3A_1022 = arith.addi %add3A_1019, %add3A_1021 : vector<16xi32>
          %shift_right_logical3A_1023 = arith.constant 7 : i32
          %shift_right_logical3A_1024 = vector.broadcast %shift_right_logical3A_1023 : i32 to vector<16xi32>
          %shift_right_logical3A_1025 = arith.shrui %add3A_1019, %shift_right_logical3A_1024 : vector<16xi32>
          %and3A_1026 = arith.constant 127 : i32
          %and3A_1027 = vector.broadcast %and3A_1026 : i32 to vector<16xi32>
          %and3A_1028 = arith.andi %add3A_1019, %and3A_1027 : vector<16xi32>
          %gather3A_1029 = tpu.vector_load_idx %arg6[%shift_right_logical3A_1025, %and3A_1028] : memref<200x128xi32, #tpu.memory_space<vmem>>[vector<16xi32>, vector<16xi32>], vector<16xi32>,
          %shift_right_logical3A_1030 = arith.constant 7 : i32
          %shift_right_logical3A_1031 = vector.broadcast %shift_right_logical3A_1030 : i32 to vector<16xi32>
          %shift_right_logical3A_1032 = arith.shrui %add3A_1022, %shift_right_logical3A_1031 : vector<16xi32>
          %and3A_1033 = arith.constant 127 : i32
          %and3A_1034 = vector.broadcast %and3A_1033 : i32 to vector<16xi32>
          %and3A_1035 = arith.andi %add3A_1022, %and3A_1034 : vector<16xi32>
          %gather3A_1036 = tpu.vector_load_idx %arg6[%shift_right_logical3A_1032, %and3A_1035] : memref<200x128xi32, #tpu.memory_space<vmem>>[vector<16xi32>, vector<16xi32>], vector<16xi32>,
          %mul3A_1037 = arith.constant 81 : i32
          %mul3A_1038 = vector.broadcast %mul3A_1037 : i32 to vector<16xi32>
          %mul3A_1039 = arith.muli %gather3A_1029, %mul3A_1038 : vector<16xi32>
          %add3A_1040 = arith.addi %mul3A_1039, %gather3A_1036 : vector<16xi32>
          %and3A_1041 = arith.constant 3 : i32
          %and3A_1042 = arith.andi %add3A_973, %and3A_1041 : i32
          %swap3A_1043 = arith.index_cast %and3A_1042 : i32 to index
          %swap3A_1044 = arith.constant 16 : index
          %swap3A_1045 = tpu.vector_load %arg7[%swap3A_1043, %swap3A_1044] {strides = array<i32>} : memref<4x128xi32, #tpu.memory_space<vmem>>, vector<16xi32>,
          tpu.vector_store %arg7[%swap3A_1043, %swap3A_1044], %add3A_1040 {strides = array<i32>} : memref<4x128xi32, #tpu.memory_space<vmem>>, vector<16xi32>,
          %add3A_1046 = arith.constant 32 : i32
          %add3A_1047 = vector.broadcast %add3A_1046 : i32 to vector<16xi32>
          %add3A_1048 = arith.addi %add3A_1047, %iota3A : vector<16xi32>
          %mul3A_1049 = arith.constant 200 : i32
          %mul3A_1050 = vector.broadcast %mul3A_1049 : i32 to vector<16xi32>
          %mul3A_1051 = arith.muli %add3A_1048, %mul3A_1050 : vector<16xi32>
          %mul3A_1052 = arith.constant 2 : i32
          %mul3A_1053 = arith.muli %mul3A_1052, %add3A_973 : i32
          %add3A_1054 = vector.broadcast %mul3A_1053 : i32 to vector<16xi32>
          %add3A_1055 = arith.addi %mul3A_1051, %add3A_1054 : vector<16xi32>
          %add3A_1056 = arith.constant 1 : i32
          %add3A_1057 = vector.broadcast %add3A_1056 : i32 to vector<16xi32>
          %add3A_1058 = arith.addi %add3A_1055, %add3A_1057 : vector<16xi32>
          %shift_right_logical3A_1059 = arith.constant 7 : i32
          %shift_right_logical3A_1060 = vector.broadcast %shift_right_logical3A_1059 : i32 to vector<16xi32>
          %shift_right_logical3A_1061 = arith.shrui %add3A_1055, %shift_right_logical3A_1060 : vector<16xi32>
          %and3A_1062 = arith.constant 127 : i32
          %and3A_1063 = vector.broadcast %and3A_1062 : i32 to vector<16xi32>
          %and3A_1064 = arith.andi %add3A_1055, %and3A_1063 : vector<16xi32>
          %gather3A_1065 = tpu.vector_load_idx %arg6[%shift_right_logical3A_1061, %and3A_1064] : memref<200x128xi32, #tpu.memory_space<vmem>>[vector<16xi32>, vector<16xi32>], vector<16xi32>,
          %shift_right_logical3A_1066 = arith.constant 7 : i32
          %shift_right_logical3A_1067 = vector.broadcast %shift_right_logical3A_1066 : i32 to vector<16xi32>
          %shift_right_logical3A_1068 = arith.shrui %add3A_1058, %shift_right_logical3A_1067 : vector<16xi32>
          %and3A_1069 = arith.constant 127 : i32
          %and3A_1070 = vector.broadcast %and3A_1069 : i32 to vector<16xi32>
          %and3A_1071 = arith.andi %add3A_1058, %and3A_1070 : vector<16xi32>
          %gather3A_1072 = tpu.vector_load_idx %arg6[%shift_right_logical3A_1068, %and3A_1071] : memref<200x128xi32, #tpu.memory_space<vmem>>[vector<16xi32>, vector<16xi32>], vector<16xi32>,
          %mul3A_1073 = arith.constant 81 : i32
          %mul3A_1074 = vector.broadcast %mul3A_1073 : i32 to vector<16xi32>
          %mul3A_1075 = arith.muli %gather3A_1065, %mul3A_1074 : vector<16xi32>
          %add3A_1076 = arith.addi %mul3A_1075, %gather3A_1072 : vector<16xi32>
          %and3A_1077 = arith.constant 3 : i32
          %and3A_1078 = arith.andi %add3A_973, %and3A_1077 : i32
          %swap3A_1079 = arith.index_cast %and3A_1078 : i32 to index
          %swap3A_1080 = arith.constant 32 : index
          %swap3A_1081 = tpu.vector_load %arg7[%swap3A_1079, %swap3A_1080] {strides = array<i32>} : memref<4x128xi32, #tpu.memory_space<vmem>>, vector<16xi32>,
          tpu.vector_store %arg7[%swap3A_1079, %swap3A_1080], %add3A_1076 {strides = array<i32>} : memref<4x128xi32, #tpu.memory_space<vmem>>, vector<16xi32>,
          %add3A_1082 = arith.constant 48 : i32
          %add3A_1083 = vector.broadcast %add3A_1082 : i32 to vector<16xi32>
          %add3A_1084 = arith.addi %add3A_1083, %iota3A : vector<16xi32>
          %mul3A_1085 = arith.constant 200 : i32
          %mul3A_1086 = vector.broadcast %mul3A_1085 : i32 to vector<16xi32>
          %mul3A_1087 = arith.muli %add3A_1084, %mul3A_1086 : vector<16xi32>
          %mul3A_1088 = arith.constant 2 : i32
          %mul3A_1089 = arith.muli %mul3A_1088, %add3A_973 : i32
          %add3A_1090 = vector.broadcast %mul3A_1089 : i32 to vector<16xi32>
          %add3A_1091 = arith.addi %mul3A_1087, %add3A_1090 : vector<16xi32>
          %add3A_1092 = arith.constant 1 : i32
          %add3A_1093 = vector.broadcast %add3A_1092 : i32 to vector<16xi32>
          %add3A_1094 = arith.addi %add3A_1091, %add3A_1093 : vector<16xi32>
          %shift_right_logical3A_1095 = arith.constant 7 : i32
          %shift_right_logical3A_1096 = vector.broadcast %shift_right_logical3A_1095 : i32 to vector<16xi32>
          %shift_right_logical3A_1097 = arith.shrui %add3A_1091, %shift_right_logical3A_1096 : vector<16xi32>
          %and3A_1098 = arith.constant 127 : i32
          %and3A_1099 = vector.broadcast %and3A_1098 : i32 to vector<16xi32>
          %and3A_1100 = arith.andi %add3A_1091, %and3A_1099 : vector<16xi32>
          %gather3A_1101 = tpu.vector_load_idx %arg6[%shift_right_logical3A_1097, %and3A_1100] : memref<200x128xi32, #tpu.memory_space<vmem>>[vector<16xi32>, vector<16xi32>], vector<16xi32>,
          %shift_right_logical3A_1102 = arith.constant 7 : i32
          %shift_right_logical3A_1103 = vector.broadcast %shift_right_logical3A_1102 : i32 to vector<16xi32>
          %shift_right_logical3A_1104 = arith.shrui %add3A_1094, %shift_right_logical3A_1103 : vector<16xi32>
          %and3A_1105 = arith.constant 127 : i32
          %and3A_1106 = vector.broadcast %and3A_1105 : i32 to vector<16xi32>
          %and3A_1107 = arith.andi %add3A_1094, %and3A_1106 : vector<16xi32>
          %gather3A_1108 = tpu.vector_load_idx %arg6[%shift_right_logical3A_1104, %and3A_1107] : memref<200x128xi32, #tpu.memory_space<vmem>>[vector<16xi32>, vector<16xi32>], vector<16xi32>,
          %mul3A_1109 = arith.constant 81 : i32
          %mul3A_1110 = vector.broadcast %mul3A_1109 : i32 to vector<16xi32>
          %mul3A_1111 = arith.muli %gather3A_1101, %mul3A_1110 : vector<16xi32>
          %add3A_1112 = arith.addi %mul3A_1111, %gather3A_1108 : vector<16xi32>
          %and3A_1113 = arith.constant 3 : i32
          %and3A_1114 = arith.andi %add3A_973, %and3A_1113 : i32
          %swap3A_1115 = arith.index_cast %and3A_1114 : i32 to index
          %swap3A_1116 = arith.constant 48 : index
          %swap3A_1117 = tpu.vector_load %arg7[%swap3A_1115, %swap3A_1116] {strides = array<i32>} : memref<4x128xi32, #tpu.memory_space<vmem>>, vector<16xi32>,
          tpu.vector_store %arg7[%swap3A_1115, %swap3A_1116], %add3A_1112 {strides = array<i32>} : memref<4x128xi32, #tpu.memory_space<vmem>>, vector<16xi32>,
          %add3A_1118 = arith.constant 64 : i32
          %add3A_1119 = vector.broadcast %add3A_1118 : i32 to vector<16xi32>
          %add3A_1120 = arith.addi %add3A_1119, %iota3A : vector<16xi32>
          %mul3A_1121 = arith.constant 200 : i32
          %mul3A_1122 = vector.broadcast %mul3A_1121 : i32 to vector<16xi32>
          %mul3A_1123 = arith.muli %add3A_1120, %mul3A_1122 : vector<16xi32>
          %mul3A_1124 = arith.constant 2 : i32
          %mul3A_1125 = arith.muli %mul3A_1124, %add3A_973 : i32
          %add3A_1126 = vector.broadcast %mul3A_1125 : i32 to vector<16xi32>
          %add3A_1127 = arith.addi %mul3A_1123, %add3A_1126 : vector<16xi32>
          %add3A_1128 = arith.constant 1 : i32
          %add3A_1129 = vector.broadcast %add3A_1128 : i32 to vector<16xi32>
          %add3A_1130 = arith.addi %add3A_1127, %add3A_1129 : vector<16xi32>
          %shift_right_logical3A_1131 = arith.constant 7 : i32
          %shift_right_logical3A_1132 = vector.broadcast %shift_right_logical3A_1131 : i32 to vector<16xi32>
          %shift_right_logical3A_1133 = arith.shrui %add3A_1127, %shift_right_logical3A_1132 : vector<16xi32>
          %and3A_1134 = arith.constant 127 : i32
          %and3A_1135 = vector.broadcast %and3A_1134 : i32 to vector<16xi32>
          %and3A_1136 = arith.andi %add3A_1127, %and3A_1135 : vector<16xi32>
          %gather3A_1137 = tpu.vector_load_idx %arg6[%shift_right_logical3A_1133, %and3A_1136] : memref<200x128xi32, #tpu.memory_space<vmem>>[vector<16xi32>, vector<16xi32>], vector<16xi32>,
          %shift_right_logical3A_1138 = arith.constant 7 : i32
          %shift_right_logical3A_1139 = vector.broadcast %shift_right_logical3A_1138 : i32 to vector<16xi32>
          %shift_right_logical3A_1140 = arith.shrui %add3A_1130, %shift_right_logical3A_1139 : vector<16xi32>
          %and3A_1141 = arith.constant 127 : i32
          %and3A_1142 = vector.broadcast %and3A_1141 : i32 to vector<16xi32>
          %and3A_1143 = arith.andi %add3A_1130, %and3A_1142 : vector<16xi32>
          %gather3A_1144 = tpu.vector_load_idx %arg6[%shift_right_logical3A_1140, %and3A_1143] : memref<200x128xi32, #tpu.memory_space<vmem>>[vector<16xi32>, vector<16xi32>], vector<16xi32>,
          %mul3A_1145 = arith.constant 81 : i32
          %mul3A_1146 = vector.broadcast %mul3A_1145 : i32 to vector<16xi32>
          %mul3A_1147 = arith.muli %gather3A_1137, %mul3A_1146 : vector<16xi32>
          %add3A_1148 = arith.addi %mul3A_1147, %gather3A_1144 : vector<16xi32>
          %and3A_1149 = arith.constant 3 : i32
          %and3A_1150 = arith.andi %add3A_973, %and3A_1149 : i32
          %swap3A_1151 = arith.index_cast %and3A_1150 : i32 to index
          %swap3A_1152 = arith.constant 64 : index
          %swap3A_1153 = tpu.vector_load %arg7[%swap3A_1151, %swap3A_1152] {strides = array<i32>} : memref<4x128xi32, #tpu.memory_space<vmem>>, vector<16xi32>,
          tpu.vector_store %arg7[%swap3A_1151, %swap3A_1152], %add3A_1148 {strides = array<i32>} : memref<4x128xi32, #tpu.memory_space<vmem>>, vector<16xi32>,
          %add3A_1154 = arith.constant 80 : i32
          %add3A_1155 = vector.broadcast %add3A_1154 : i32 to vector<16xi32>
          %add3A_1156 = arith.addi %add3A_1155, %iota3A : vector<16xi32>
          %mul3A_1157 = arith.constant 200 : i32
          %mul3A_1158 = vector.broadcast %mul3A_1157 : i32 to vector<16xi32>
          %mul3A_1159 = arith.muli %add3A_1156, %mul3A_1158 : vector<16xi32>
          %mul3A_1160 = arith.constant 2 : i32
          %mul3A_1161 = arith.muli %mul3A_1160, %add3A_973 : i32
          %add3A_1162 = vector.broadcast %mul3A_1161 : i32 to vector<16xi32>
          %add3A_1163 = arith.addi %mul3A_1159, %add3A_1162 : vector<16xi32>
          %add3A_1164 = arith.constant 1 : i32
          %add3A_1165 = vector.broadcast %add3A_1164 : i32 to vector<16xi32>
          %add3A_1166 = arith.addi %add3A_1163, %add3A_1165 : vector<16xi32>
          %shift_right_logical3A_1167 = arith.constant 7 : i32
          %shift_right_logical3A_1168 = vector.broadcast %shift_right_logical3A_1167 : i32 to vector<16xi32>
          %shift_right_logical3A_1169 = arith.shrui %add3A_1163, %shift_right_logical3A_1168 : vector<16xi32>
          %and3A_1170 = arith.constant 127 : i32
          %and3A_1171 = vector.broadcast %and3A_1170 : i32 to vector<16xi32>
          %and3A_1172 = arith.andi %add3A_1163, %and3A_1171 : vector<16xi32>
          %gather3A_1173 = tpu.vector_load_idx %arg6[%shift_right_logical3A_1169, %and3A_1172] : memref<200x128xi32, #tpu.memory_space<vmem>>[vector<16xi32>, vector<16xi32>], vector<16xi32>,
          %shift_right_logical3A_1174 = arith.constant 7 : i32
          %shift_right_logical3A_1175 = vector.broadcast %shift_right_logical3A_1174 : i32 to vector<16xi32>
          %shift_right_logical3A_1176 = arith.shrui %add3A_1166, %shift_right_logical3A_1175 : vector<16xi32>
          %and3A_1177 = arith.constant 127 : i32
          %and3A_1178 = vector.broadcast %and3A_1177 : i32 to vector<16xi32>
          %and3A_1179 = arith.andi %add3A_1166, %and3A_1178 : vector<16xi32>
          %gather3A_1180 = tpu.vector_load_idx %arg6[%shift_right_logical3A_1176, %and3A_1179] : memref<200x128xi32, #tpu.memory_space<vmem>>[vector<16xi32>, vector<16xi32>], vector<16xi32>,
          %mul3A_1181 = arith.constant 81 : i32
          %mul3A_1182 = vector.broadcast %mul3A_1181 : i32 to vector<16xi32>
          %mul3A_1183 = arith.muli %gather3A_1173, %mul3A_1182 : vector<16xi32>
          %add3A_1184 = arith.addi %mul3A_1183, %gather3A_1180 : vector<16xi32>
          %and3A_1185 = arith.constant 3 : i32
          %and3A_1186 = arith.andi %add3A_973, %and3A_1185 : i32
          %swap3A_1187 = arith.index_cast %and3A_1186 : i32 to index
          %swap3A_1188 = arith.constant 80 : index
          %swap3A_1189 = tpu.vector_load %arg7[%swap3A_1187, %swap3A_1188] {strides = array<i32>} : memref<4x128xi32, #tpu.memory_space<vmem>>, vector<16xi32>,
          tpu.vector_store %arg7[%swap3A_1187, %swap3A_1188], %add3A_1184 {strides = array<i32>} : memref<4x128xi32, #tpu.memory_space<vmem>>, vector<16xi32>,
          %add3A_1190 = arith.constant 96 : i32
          %add3A_1191 = vector.broadcast %add3A_1190 : i32 to vector<16xi32>
          %add3A_1192 = arith.addi %add3A_1191, %iota3A : vector<16xi32>
          %mul3A_1193 = arith.constant 200 : i32
          %mul3A_1194 = vector.broadcast %mul3A_1193 : i32 to vector<16xi32>
          %mul3A_1195 = arith.muli %add3A_1192, %mul3A_1194 : vector<16xi32>
          %mul3A_1196 = arith.constant 2 : i32
          %mul3A_1197 = arith.muli %mul3A_1196, %add3A_973 : i32
          %add3A_1198 = vector.broadcast %mul3A_1197 : i32 to vector<16xi32>
          %add3A_1199 = arith.addi %mul3A_1195, %add3A_1198 : vector<16xi32>
          %add3A_1200 = arith.constant 1 : i32
          %add3A_1201 = vector.broadcast %add3A_1200 : i32 to vector<16xi32>
          %add3A_1202 = arith.addi %add3A_1199, %add3A_1201 : vector<16xi32>
          %shift_right_logical3A_1203 = arith.constant 7 : i32
          %shift_right_logical3A_1204 = vector.broadcast %shift_right_logical3A_1203 : i32 to vector<16xi32>
          %shift_right_logical3A_1205 = arith.shrui %add3A_1199, %shift_right_logical3A_1204 : vector<16xi32>
          %and3A_1206 = arith.constant 127 : i32
          %and3A_1207 = vector.broadcast %and3A_1206 : i32 to vector<16xi32>
          %and3A_1208 = arith.andi %add3A_1199, %and3A_1207 : vector<16xi32>
          %gather3A_1209 = tpu.vector_load_idx %arg6[%shift_right_logical3A_1205, %and3A_1208] : memref<200x128xi32, #tpu.memory_space<vmem>>[vector<16xi32>, vector<16xi32>], vector<16xi32>,
          %shift_right_logical3A_1210 = arith.constant 7 : i32
          %shift_right_logical3A_1211 = vector.broadcast %shift_right_logical3A_1210 : i32 to vector<16xi32>
          %shift_right_logical3A_1212 = arith.shrui %add3A_1202, %shift_right_logical3A_1211 : vector<16xi32>
          %and3A_1213 = arith.constant 127 : i32
          %and3A_1214 = vector.broadcast %and3A_1213 : i32 to vector<16xi32>
          %and3A_1215 = arith.andi %add3A_1202, %and3A_1214 : vector<16xi32>
          %gather3A_1216 = tpu.vector_load_idx %arg6[%shift_right_logical3A_1212, %and3A_1215] : memref<200x128xi32, #tpu.memory_space<vmem>>[vector<16xi32>, vector<16xi32>], vector<16xi32>,
          %mul3A_1217 = arith.constant 81 : i32
          %mul3A_1218 = vector.broadcast %mul3A_1217 : i32 to vector<16xi32>
          %mul3A_1219 = arith.muli %gather3A_1209, %mul3A_1218 : vector<16xi32>
          %add3A_1220 = arith.addi %mul3A_1219, %gather3A_1216 : vector<16xi32>
          %and3A_1221 = arith.constant 3 : i32
          %and3A_1222 = arith.andi %add3A_973, %and3A_1221 : i32
          %swap3A_1223 = arith.index_cast %and3A_1222 : i32 to index
          %swap3A_1224 = arith.constant 96 : index
          %swap3A_1225 = tpu.vector_load %arg7[%swap3A_1223, %swap3A_1224] {strides = array<i32>} : memref<4x128xi32, #tpu.memory_space<vmem>>, vector<16xi32>,
          tpu.vector_store %arg7[%swap3A_1223, %swap3A_1224], %add3A_1220 {strides = array<i32>} : memref<4x128xi32, #tpu.memory_space<vmem>>, vector<16xi32>,
          %add3A_1226 = arith.constant 112 : i32
          %add3A_1227 = vector.broadcast %add3A_1226 : i32 to vector<16xi32>
          %add3A_1228 = arith.addi %add3A_1227, %iota3A : vector<16xi32>
          %mul3A_1229 = arith.constant 200 : i32
          %mul3A_1230 = vector.broadcast %mul3A_1229 : i32 to vector<16xi32>
          %mul3A_1231 = arith.muli %add3A_1228, %mul3A_1230 : vector<16xi32>
          %mul3A_1232 = arith.constant 2 : i32
          %mul3A_1233 = arith.muli %mul3A_1232, %add3A_973 : i32
          %add3A_1234 = vector.broadcast %mul3A_1233 : i32 to vector<16xi32>
          %add3A_1235 = arith.addi %mul3A_1231, %add3A_1234 : vector<16xi32>
          %add3A_1236 = arith.constant 1 : i32
          %add3A_1237 = vector.broadcast %add3A_1236 : i32 to vector<16xi32>
          %add3A_1238 = arith.addi %add3A_1235, %add3A_1237 : vector<16xi32>
          %shift_right_logical3A_1239 = arith.constant 7 : i32
          %shift_right_logical3A_1240 = vector.broadcast %shift_right_logical3A_1239 : i32 to vector<16xi32>
          %shift_right_logical3A_1241 = arith.shrui %add3A_1235, %shift_right_logical3A_1240 : vector<16xi32>
          %and3A_1242 = arith.constant 127 : i32
          %and3A_1243 = vector.broadcast %and3A_1242 : i32 to vector<16xi32>
          %and3A_1244 = arith.andi %add3A_1235, %and3A_1243 : vector<16xi32>
          %gather3A_1245 = tpu.vector_load_idx %arg6[%shift_right_logical3A_1241, %and3A_1244] : memref<200x128xi32, #tpu.memory_space<vmem>>[vector<16xi32>, vector<16xi32>], vector<16xi32>,
          %shift_right_logical3A_1246 = arith.constant 7 : i32
          %shift_right_logical3A_1247 = vector.broadcast %shift_right_logical3A_1246 : i32 to vector<16xi32>
          %shift_right_logical3A_1248 = arith.shrui %add3A_1238, %shift_right_logical3A_1247 : vector<16xi32>
          %and3A_1249 = arith.constant 127 : i32
          %and3A_1250 = vector.broadcast %and3A_1249 : i32 to vector<16xi32>
          %and3A_1251 = arith.andi %add3A_1238, %and3A_1250 : vector<16xi32>
          %gather3A_1252 = tpu.vector_load_idx %arg6[%shift_right_logical3A_1248, %and3A_1251] : memref<200x128xi32, #tpu.memory_space<vmem>>[vector<16xi32>, vector<16xi32>], vector<16xi32>,
          %mul3A_1253 = arith.constant 81 : i32
          %mul3A_1254 = vector.broadcast %mul3A_1253 : i32 to vector<16xi32>
          %mul3A_1255 = arith.muli %gather3A_1245, %mul3A_1254 : vector<16xi32>
          %add3A_1256 = arith.addi %mul3A_1255, %gather3A_1252 : vector<16xi32>
          %and3A_1257 = arith.constant 3 : i32
          %and3A_1258 = arith.andi %add3A_973, %and3A_1257 : i32
          %swap3A_1259 = arith.index_cast %and3A_1258 : i32 to index
          %swap3A_1260 = arith.constant 112 : index
          %swap3A_1261 = tpu.vector_load %arg7[%swap3A_1259, %swap3A_1260] {strides = array<i32>} : memref<4x128xi32, #tpu.memory_space<vmem>>, vector<16xi32>,
          tpu.vector_store %arg7[%swap3A_1259, %swap3A_1260], %add3A_1256 {strides = array<i32>} : memref<4x128xi32, #tpu.memory_space<vmem>>, vector<16xi32>,
        } else {
        }
        %dma_wait3A_928 = arith.constant 0 : i32
        %dma_wait3A_929 = tpu.memref_slice %arg7[%and3A_914, %dma_wait3A_928] : memref<4x128xi32, #tpu.memory_space<vmem>> -> memref<1x128xi32, #tpu.memory_space<vmem>>
        %dma_wait3A_930 = tpu.memref_squeeze %dma_wait3A_929 : memref<1x128xi32, #tpu.memory_space<vmem>> -> memref<128xi32, #tpu.memory_space<vmem>>
        %dma_wait3A_931 = arith.constant 0 : i32
        %dma_wait3A_932 = arith.constant 0 : i32
        %dma_wait3A_933 = tpu.memref_slice %arg5[%dma_wait3A_931, %dma_wait3A_932] : memref<6561x128xf32, #tpu.memory_space<vmem_shared>> -> memref<6561x128xf32, #tpu.memory_space<vmem_shared>>
        tpu.wait_indirect_dma semaphore(%arg11 : memref<!tpu.dma_semaphore, #tpu.memory_space<semaphore_mem>>) src(%dma_wait3A_933 : memref<6561x128xf32, #tpu.memory_space<vmem_shared>>) dst(%arg9 : memref<128x128xf32, #tpu.memory_space<vmem>>)
        %mul3A_934 = arith.constant 128 : i32
        %mul3A_935 = arith.muli %add3A_907, %mul3A_934 : i32
        %dma_start3A_936 = tpu.memref_slice %arg4[%add3A_834, %mul3A_935] : memref<16384x12800xf32, #tpu.memory_space<hbm>> -> memref<128x128xf32, #tpu.memory_space<hbm>>
        %dma_start3A_937 = tpu.memref_slice %arg4[%add3A_834, %mul3A_935] : memref<16384x12800xf32, #tpu.memory_space<hbm>> -> memref<128x128xf32, #tpu.memory_space<hbm>>
        tpu.enqueue_dma source(%arg9 : memref<128x128xf32, #tpu.memory_space<vmem>>) target(%dma_start3A_937 : memref<128x128xf32, #tpu.memory_space<hbm>>) target_semaphore(%arg13 : memref<!tpu.dma_semaphore, #tpu.memory_space<semaphore_mem>>)
        %mul3A_938 = arith.constant 3 : i32
        %mul3A_939 = arith.muli %mul3A_938, %scan3A_873 : i32
        %add3A_940 = arith.constant 2 : i32
        %add3A_941 = arith.addi %mul3A_939, %add3A_940 : i32
        %gt3A_942 = arith.constant 0 : i32
        %gt3A_943 = arith.cmpi sgt, %scan3A_873, %gt3A_942 : i32
        %convert_element_type3A_944 = arith.extui %gt3A_943 : i1 to i32
        %cond3A_945 = arith.constant 0 : i32
        %cond3A_946 = arith.cmpi ne, %convert_element_type3A_944, %cond3A_945 : i32
        scf.if %cond3A_946 {
          %sub3A = arith.constant 3 : i32
          %sub3A_972 = arith.subi %add3A_941, %sub3A : i32
          %mul3A_973 = arith.constant 128 : i32
          %mul3A_974 = arith.muli %sub3A_972, %mul3A_973 : i32
          %dma_wait3A_975 = tpu.memref_slice %arg4[%add3A_834, %mul3A_974] : memref<16384x12800xf32, #tpu.memory_space<hbm>> -> memref<128x128xf32, #tpu.memory_space<hbm>>
          %dma_wait3A_976 = tpu.memref_slice %arg4[%add3A_834, %mul3A_974] : memref<16384x12800xf32, #tpu.memory_space<hbm>> -> memref<128x128xf32, #tpu.memory_space<hbm>>
          tpu.wait_dma2 semaphore(%arg14 : memref<!tpu.dma_semaphore, #tpu.memory_space<semaphore_mem>>) src(%arg10 : memref<128x128xf32, #tpu.memory_space<vmem>>) dst(%dma_wait3A_976 : memref<128x128xf32, #tpu.memory_space<hbm>>)
        } else {
        }
        %and3A_947 = arith.constant 3 : i32
        %and3A_948 = arith.andi %add3A_941, %and3A_947 : i32
        %dma_start3A_949 = arith.constant 0 : i32
        %dma_start3A_950 = tpu.memref_slice %arg7[%and3A_948, %dma_start3A_949] : memref<4x128xi32, #tpu.memory_space<vmem>> -> memref<1x128xi32, #tpu.memory_space<vmem>>
        %dma_start3A_951 = tpu.memref_squeeze %dma_start3A_950 : memref<1x128xi32, #tpu.memory_space<vmem>> -> memref<128xi32, #tpu.memory_space<vmem>>
        %dma_start3A_952 = arith.constant 0 : i32
        %dma_start3A_953 = arith.constant 0 : i32
        %dma_start3A_954 = tpu.memref_slice %arg5[%dma_start3A_952, %dma_start3A_953] : memref<6561x128xf32, #tpu.memory_space<vmem_shared>> -> memref<6561x128xf32, #tpu.memory_space<vmem_shared>>
        tpu.enqueue_indirect_dma source(%dma_start3A_954 : memref<6561x128xf32, #tpu.memory_space<vmem_shared>>) target(%arg10 : memref<128x128xf32, #tpu.memory_space<vmem>>) offsets(%dma_start3A_951 : memref<128xi32, #tpu.memory_space<vmem>>) semaphore(%arg11 : memref<!tpu.dma_semaphore, #tpu.memory_space<semaphore_mem>>)
        %add3A_955 = arith.constant 3 : i32
        %add3A_956 = arith.addi %add3A_941, %add3A_955 : i32
        %lt3A_957 = arith.constant 100 : i32
        %lt3A_958 = arith.cmpi slt, %add3A_956, %lt3A_957 : i32
        %convert_element_type3A_959 = arith.extui %lt3A_958 : i1 to i32
        %cond3A_960 = arith.constant 0 : i32
        %cond3A_961 = arith.cmpi ne, %convert_element_type3A_959, %cond3A_960 : i32
        scf.if %cond3A_961 {
          %add3A_972 = arith.constant 3 : i32
          %add3A_973 = arith.addi %add3A_941, %add3A_972 : i32
          %add3A_974 = arith.constant 0 : i32
          %add3A_975 = vector.broadcast %add3A_974 : i32 to vector<16xi32>
          %add3A_976 = arith.addi %add3A_975, %iota3A : vector<16xi32>
          %mul3A_977 = arith.constant 200 : i32
          %mul3A_978 = vector.broadcast %mul3A_977 : i32 to vector<16xi32>
          %mul3A_979 = arith.muli %add3A_976, %mul3A_978 : vector<16xi32>
          %mul3A_980 = arith.constant 2 : i32
          %mul3A_981 = arith.muli %mul3A_980, %add3A_973 : i32
          %add3A_982 = vector.broadcast %mul3A_981 : i32 to vector<16xi32>
          %add3A_983 = arith.addi %mul3A_979, %add3A_982 : vector<16xi32>
          %add3A_984 = arith.constant 1 : i32
          %add3A_985 = vector.broadcast %add3A_984 : i32 to vector<16xi32>
          %add3A_986 = arith.addi %add3A_983, %add3A_985 : vector<16xi32>
          %shift_right_logical3A_987 = arith.constant 7 : i32
          %shift_right_logical3A_988 = vector.broadcast %shift_right_logical3A_987 : i32 to vector<16xi32>
          %shift_right_logical3A_989 = arith.shrui %add3A_983, %shift_right_logical3A_988 : vector<16xi32>
          %and3A_990 = arith.constant 127 : i32
          %and3A_991 = vector.broadcast %and3A_990 : i32 to vector<16xi32>
          %and3A_992 = arith.andi %add3A_983, %and3A_991 : vector<16xi32>
          %gather3A_993 = tpu.vector_load_idx %arg6[%shift_right_logical3A_989, %and3A_992] : memref<200x128xi32, #tpu.memory_space<vmem>>[vector<16xi32>, vector<16xi32>], vector<16xi32>,
          %shift_right_logical3A_994 = arith.constant 7 : i32
          %shift_right_logical3A_995 = vector.broadcast %shift_right_logical3A_994 : i32 to vector<16xi32>
          %shift_right_logical3A_996 = arith.shrui %add3A_986, %shift_right_logical3A_995 : vector<16xi32>
          %and3A_997 = arith.constant 127 : i32
          %and3A_998 = vector.broadcast %and3A_997 : i32 to vector<16xi32>
          %and3A_999 = arith.andi %add3A_986, %and3A_998 : vector<16xi32>
          %gather3A_1000 = tpu.vector_load_idx %arg6[%shift_right_logical3A_996, %and3A_999] : memref<200x128xi32, #tpu.memory_space<vmem>>[vector<16xi32>, vector<16xi32>], vector<16xi32>,
          %mul3A_1001 = arith.constant 81 : i32
          %mul3A_1002 = vector.broadcast %mul3A_1001 : i32 to vector<16xi32>
          %mul3A_1003 = arith.muli %gather3A_993, %mul3A_1002 : vector<16xi32>
          %add3A_1004 = arith.addi %mul3A_1003, %gather3A_1000 : vector<16xi32>
          %and3A_1005 = arith.constant 3 : i32
          %and3A_1006 = arith.andi %add3A_973, %and3A_1005 : i32
          %swap3A_1007 = arith.index_cast %and3A_1006 : i32 to index
          %swap3A_1008 = arith.constant 0 : index
          %swap3A_1009 = tpu.vector_load %arg7[%swap3A_1007, %swap3A_1008] {strides = array<i32>} : memref<4x128xi32, #tpu.memory_space<vmem>>, vector<16xi32>,
          tpu.vector_store %arg7[%swap3A_1007, %swap3A_1008], %add3A_1004 {strides = array<i32>} : memref<4x128xi32, #tpu.memory_space<vmem>>, vector<16xi32>,
          %add3A_1010 = arith.constant 16 : i32
          %add3A_1011 = vector.broadcast %add3A_1010 : i32 to vector<16xi32>
          %add3A_1012 = arith.addi %add3A_1011, %iota3A : vector<16xi32>
          %mul3A_1013 = arith.constant 200 : i32
          %mul3A_1014 = vector.broadcast %mul3A_1013 : i32 to vector<16xi32>
          %mul3A_1015 = arith.muli %add3A_1012, %mul3A_1014 : vector<16xi32>
          %mul3A_1016 = arith.constant 2 : i32
          %mul3A_1017 = arith.muli %mul3A_1016, %add3A_973 : i32
          %add3A_1018 = vector.broadcast %mul3A_1017 : i32 to vector<16xi32>
          %add3A_1019 = arith.addi %mul3A_1015, %add3A_1018 : vector<16xi32>
          %add3A_1020 = arith.constant 1 : i32
          %add3A_1021 = vector.broadcast %add3A_1020 : i32 to vector<16xi32>
          %add3A_1022 = arith.addi %add3A_1019, %add3A_1021 : vector<16xi32>
          %shift_right_logical3A_1023 = arith.constant 7 : i32
          %shift_right_logical3A_1024 = vector.broadcast %shift_right_logical3A_1023 : i32 to vector<16xi32>
          %shift_right_logical3A_1025 = arith.shrui %add3A_1019, %shift_right_logical3A_1024 : vector<16xi32>
          %and3A_1026 = arith.constant 127 : i32
          %and3A_1027 = vector.broadcast %and3A_1026 : i32 to vector<16xi32>
          %and3A_1028 = arith.andi %add3A_1019, %and3A_1027 : vector<16xi32>
          %gather3A_1029 = tpu.vector_load_idx %arg6[%shift_right_logical3A_1025, %and3A_1028] : memref<200x128xi32, #tpu.memory_space<vmem>>[vector<16xi32>, vector<16xi32>], vector<16xi32>,
          %shift_right_logical3A_1030 = arith.constant 7 : i32
          %shift_right_logical3A_1031 = vector.broadcast %shift_right_logical3A_1030 : i32 to vector<16xi32>
          %shift_right_logical3A_1032 = arith.shrui %add3A_1022, %shift_right_logical3A_1031 : vector<16xi32>
          %and3A_1033 = arith.constant 127 : i32
          %and3A_1034 = vector.broadcast %and3A_1033 : i32 to vector<16xi32>
          %and3A_1035 = arith.andi %add3A_1022, %and3A_1034 : vector<16xi32>
          %gather3A_1036 = tpu.vector_load_idx %arg6[%shift_right_logical3A_1032, %and3A_1035] : memref<200x128xi32, #tpu.memory_space<vmem>>[vector<16xi32>, vector<16xi32>], vector<16xi32>,
          %mul3A_1037 = arith.constant 81 : i32
          %mul3A_1038 = vector.broadcast %mul3A_1037 : i32 to vector<16xi32>
          %mul3A_1039 = arith.muli %gather3A_1029, %mul3A_1038 : vector<16xi32>
          %add3A_1040 = arith.addi %mul3A_1039, %gather3A_1036 : vector<16xi32>
          %and3A_1041 = arith.constant 3 : i32
          %and3A_1042 = arith.andi %add3A_973, %and3A_1041 : i32
          %swap3A_1043 = arith.index_cast %and3A_1042 : i32 to index
          %swap3A_1044 = arith.constant 16 : index
          %swap3A_1045 = tpu.vector_load %arg7[%swap3A_1043, %swap3A_1044] {strides = array<i32>} : memref<4x128xi32, #tpu.memory_space<vmem>>, vector<16xi32>,
          tpu.vector_store %arg7[%swap3A_1043, %swap3A_1044], %add3A_1040 {strides = array<i32>} : memref<4x128xi32, #tpu.memory_space<vmem>>, vector<16xi32>,
          %add3A_1046 = arith.constant 32 : i32
          %add3A_1047 = vector.broadcast %add3A_1046 : i32 to vector<16xi32>
          %add3A_1048 = arith.addi %add3A_1047, %iota3A : vector<16xi32>
          %mul3A_1049 = arith.constant 200 : i32
          %mul3A_1050 = vector.broadcast %mul3A_1049 : i32 to vector<16xi32>
          %mul3A_1051 = arith.muli %add3A_1048, %mul3A_1050 : vector<16xi32>
          %mul3A_1052 = arith.constant 2 : i32
          %mul3A_1053 = arith.muli %mul3A_1052, %add3A_973 : i32
          %add3A_1054 = vector.broadcast %mul3A_1053 : i32 to vector<16xi32>
          %add3A_1055 = arith.addi %mul3A_1051, %add3A_1054 : vector<16xi32>
          %add3A_1056 = arith.constant 1 : i32
          %add3A_1057 = vector.broadcast %add3A_1056 : i32 to vector<16xi32>
          %add3A_1058 = arith.addi %add3A_1055, %add3A_1057 : vector<16xi32>
          %shift_right_logical3A_1059 = arith.constant 7 : i32
          %shift_right_logical3A_1060 = vector.broadcast %shift_right_logical3A_1059 : i32 to vector<16xi32>
          %shift_right_logical3A_1061 = arith.shrui %add3A_1055, %shift_right_logical3A_1060 : vector<16xi32>
          %and3A_1062 = arith.constant 127 : i32
          %and3A_1063 = vector.broadcast %and3A_1062 : i32 to vector<16xi32>
          %and3A_1064 = arith.andi %add3A_1055, %and3A_1063 : vector<16xi32>
          %gather3A_1065 = tpu.vector_load_idx %arg6[%shift_right_logical3A_1061, %and3A_1064] : memref<200x128xi32, #tpu.memory_space<vmem>>[vector<16xi32>, vector<16xi32>], vector<16xi32>,
          %shift_right_logical3A_1066 = arith.constant 7 : i32
          %shift_right_logical3A_1067 = vector.broadcast %shift_right_logical3A_1066 : i32 to vector<16xi32>
          %shift_right_logical3A_1068 = arith.shrui %add3A_1058, %shift_right_logical3A_1067 : vector<16xi32>
          %and3A_1069 = arith.constant 127 : i32
          %and3A_1070 = vector.broadcast %and3A_1069 : i32 to vector<16xi32>
          %and3A_1071 = arith.andi %add3A_1058, %and3A_1070 : vector<16xi32>
          %gather3A_1072 = tpu.vector_load_idx %arg6[%shift_right_logical3A_1068, %and3A_1071] : memref<200x128xi32, #tpu.memory_space<vmem>>[vector<16xi32>, vector<16xi32>], vector<16xi32>,
          %mul3A_1073 = arith.constant 81 : i32
          %mul3A_1074 = vector.broadcast %mul3A_1073 : i32 to vector<16xi32>
          %mul3A_1075 = arith.muli %gather3A_1065, %mul3A_1074 : vector<16xi32>
          %add3A_1076 = arith.addi %mul3A_1075, %gather3A_1072 : vector<16xi32>
          %and3A_1077 = arith.constant 3 : i32
          %and3A_1078 = arith.andi %add3A_973, %and3A_1077 : i32
          %swap3A_1079 = arith.index_cast %and3A_1078 : i32 to index
          %swap3A_1080 = arith.constant 32 : index
          %swap3A_1081 = tpu.vector_load %arg7[%swap3A_1079, %swap3A_1080] {strides = array<i32>} : memref<4x128xi32, #tpu.memory_space<vmem>>, vector<16xi32>,
          tpu.vector_store %arg7[%swap3A_1079, %swap3A_1080], %add3A_1076 {strides = array<i32>} : memref<4x128xi32, #tpu.memory_space<vmem>>, vector<16xi32>,
          %add3A_1082 = arith.constant 48 : i32
          %add3A_1083 = vector.broadcast %add3A_1082 : i32 to vector<16xi32>
          %add3A_1084 = arith.addi %add3A_1083, %iota3A : vector<16xi32>
          %mul3A_1085 = arith.constant 200 : i32
          %mul3A_1086 = vector.broadcast %mul3A_1085 : i32 to vector<16xi32>
          %mul3A_1087 = arith.muli %add3A_1084, %mul3A_1086 : vector<16xi32>
          %mul3A_1088 = arith.constant 2 : i32
          %mul3A_1089 = arith.muli %mul3A_1088, %add3A_973 : i32
          %add3A_1090 = vector.broadcast %mul3A_1089 : i32 to vector<16xi32>
          %add3A_1091 = arith.addi %mul3A_1087, %add3A_1090 : vector<16xi32>
          %add3A_1092 = arith.constant 1 : i32
          %add3A_1093 = vector.broadcast %add3A_1092 : i32 to vector<16xi32>
          %add3A_1094 = arith.addi %add3A_1091, %add3A_1093 : vector<16xi32>
          %shift_right_logical3A_1095 = arith.constant 7 : i32
          %shift_right_logical3A_1096 = vector.broadcast %shift_right_logical3A_1095 : i32 to vector<16xi32>
          %shift_right_logical3A_1097 = arith.shrui %add3A_1091, %shift_right_logical3A_1096 : vector<16xi32>
          %and3A_1098 = arith.constant 127 : i32
          %and3A_1099 = vector.broadcast %and3A_1098 : i32 to vector<16xi32>
          %and3A_1100 = arith.andi %add3A_1091, %and3A_1099 : vector<16xi32>
          %gather3A_1101 = tpu.vector_load_idx %arg6[%shift_right_logical3A_1097, %and3A_1100] : memref<200x128xi32, #tpu.memory_space<vmem>>[vector<16xi32>, vector<16xi32>], vector<16xi32>,
          %shift_right_logical3A_1102 = arith.constant 7 : i32
          %shift_right_logical3A_1103 = vector.broadcast %shift_right_logical3A_1102 : i32 to vector<16xi32>
          %shift_right_logical3A_1104 = arith.shrui %add3A_1094, %shift_right_logical3A_1103 : vector<16xi32>
          %and3A_1105 = arith.constant 127 : i32
          %and3A_1106 = vector.broadcast %and3A_1105 : i32 to vector<16xi32>
          %and3A_1107 = arith.andi %add3A_1094, %and3A_1106 : vector<16xi32>
          %gather3A_1108 = tpu.vector_load_idx %arg6[%shift_right_logical3A_1104, %and3A_1107] : memref<200x128xi32, #tpu.memory_space<vmem>>[vector<16xi32>, vector<16xi32>], vector<16xi32>,
          %mul3A_1109 = arith.constant 81 : i32
          %mul3A_1110 = vector.broadcast %mul3A_1109 : i32 to vector<16xi32>
          %mul3A_1111 = arith.muli %gather3A_1101, %mul3A_1110 : vector<16xi32>
          %add3A_1112 = arith.addi %mul3A_1111, %gather3A_1108 : vector<16xi32>
          %and3A_1113 = arith.constant 3 : i32
          %and3A_1114 = arith.andi %add3A_973, %and3A_1113 : i32
          %swap3A_1115 = arith.index_cast %and3A_1114 : i32 to index
          %swap3A_1116 = arith.constant 48 : index
          %swap3A_1117 = tpu.vector_load %arg7[%swap3A_1115, %swap3A_1116] {strides = array<i32>} : memref<4x128xi32, #tpu.memory_space<vmem>>, vector<16xi32>,
          tpu.vector_store %arg7[%swap3A_1115, %swap3A_1116], %add3A_1112 {strides = array<i32>} : memref<4x128xi32, #tpu.memory_space<vmem>>, vector<16xi32>,
          %add3A_1118 = arith.constant 64 : i32
          %add3A_1119 = vector.broadcast %add3A_1118 : i32 to vector<16xi32>
          %add3A_1120 = arith.addi %add3A_1119, %iota3A : vector<16xi32>
          %mul3A_1121 = arith.constant 200 : i32
          %mul3A_1122 = vector.broadcast %mul3A_1121 : i32 to vector<16xi32>
          %mul3A_1123 = arith.muli %add3A_1120, %mul3A_1122 : vector<16xi32>
          %mul3A_1124 = arith.constant 2 : i32
          %mul3A_1125 = arith.muli %mul3A_1124, %add3A_973 : i32
          %add3A_1126 = vector.broadcast %mul3A_1125 : i32 to vector<16xi32>
          %add3A_1127 = arith.addi %mul3A_1123, %add3A_1126 : vector<16xi32>
          %add3A_1128 = arith.constant 1 : i32
          %add3A_1129 = vector.broadcast %add3A_1128 : i32 to vector<16xi32>
          %add3A_1130 = arith.addi %add3A_1127, %add3A_1129 : vector<16xi32>
          %shift_right_logical3A_1131 = arith.constant 7 : i32
          %shift_right_logical3A_1132 = vector.broadcast %shift_right_logical3A_1131 : i32 to vector<16xi32>
          %shift_right_logical3A_1133 = arith.shrui %add3A_1127, %shift_right_logical3A_1132 : vector<16xi32>
          %and3A_1134 = arith.constant 127 : i32
          %and3A_1135 = vector.broadcast %and3A_1134 : i32 to vector<16xi32>
          %and3A_1136 = arith.andi %add3A_1127, %and3A_1135 : vector<16xi32>
          %gather3A_1137 = tpu.vector_load_idx %arg6[%shift_right_logical3A_1133, %and3A_1136] : memref<200x128xi32, #tpu.memory_space<vmem>>[vector<16xi32>, vector<16xi32>], vector<16xi32>,
          %shift_right_logical3A_1138 = arith.constant 7 : i32
          %shift_right_logical3A_1139 = vector.broadcast %shift_right_logical3A_1138 : i32 to vector<16xi32>
          %shift_right_logical3A_1140 = arith.shrui %add3A_1130, %shift_right_logical3A_1139 : vector<16xi32>
          %and3A_1141 = arith.constant 127 : i32
          %and3A_1142 = vector.broadcast %and3A_1141 : i32 to vector<16xi32>
          %and3A_1143 = arith.andi %add3A_1130, %and3A_1142 : vector<16xi32>
          %gather3A_1144 = tpu.vector_load_idx %arg6[%shift_right_logical3A_1140, %and3A_1143] : memref<200x128xi32, #tpu.memory_space<vmem>>[vector<16xi32>, vector<16xi32>], vector<16xi32>,
          %mul3A_1145 = arith.constant 81 : i32
          %mul3A_1146 = vector.broadcast %mul3A_1145 : i32 to vector<16xi32>
          %mul3A_1147 = arith.muli %gather3A_1137, %mul3A_1146 : vector<16xi32>
          %add3A_1148 = arith.addi %mul3A_1147, %gather3A_1144 : vector<16xi32>
          %and3A_1149 = arith.constant 3 : i32
          %and3A_1150 = arith.andi %add3A_973, %and3A_1149 : i32
          %swap3A_1151 = arith.index_cast %and3A_1150 : i32 to index
          %swap3A_1152 = arith.constant 64 : index
          %swap3A_1153 = tpu.vector_load %arg7[%swap3A_1151, %swap3A_1152] {strides = array<i32>} : memref<4x128xi32, #tpu.memory_space<vmem>>, vector<16xi32>,
          tpu.vector_store %arg7[%swap3A_1151, %swap3A_1152], %add3A_1148 {strides = array<i32>} : memref<4x128xi32, #tpu.memory_space<vmem>>, vector<16xi32>,
          %add3A_1154 = arith.constant 80 : i32
          %add3A_1155 = vector.broadcast %add3A_1154 : i32 to vector<16xi32>
          %add3A_1156 = arith.addi %add3A_1155, %iota3A : vector<16xi32>
          %mul3A_1157 = arith.constant 200 : i32
          %mul3A_1158 = vector.broadcast %mul3A_1157 : i32 to vector<16xi32>
          %mul3A_1159 = arith.muli %add3A_1156, %mul3A_1158 : vector<16xi32>
          %mul3A_1160 = arith.constant 2 : i32
          %mul3A_1161 = arith.muli %mul3A_1160, %add3A_973 : i32
          %add3A_1162 = vector.broadcast %mul3A_1161 : i32 to vector<16xi32>
          %add3A_1163 = arith.addi %mul3A_1159, %add3A_1162 : vector<16xi32>
          %add3A_1164 = arith.constant 1 : i32
          %add3A_1165 = vector.broadcast %add3A_1164 : i32 to vector<16xi32>
          %add3A_1166 = arith.addi %add3A_1163, %add3A_1165 : vector<16xi32>
          %shift_right_logical3A_1167 = arith.constant 7 : i32
          %shift_right_logical3A_1168 = vector.broadcast %shift_right_logical3A_1167 : i32 to vector<16xi32>
          %shift_right_logical3A_1169 = arith.shrui %add3A_1163, %shift_right_logical3A_1168 : vector<16xi32>
          %and3A_1170 = arith.constant 127 : i32
          %and3A_1171 = vector.broadcast %and3A_1170 : i32 to vector<16xi32>
          %and3A_1172 = arith.andi %add3A_1163, %and3A_1171 : vector<16xi32>
          %gather3A_1173 = tpu.vector_load_idx %arg6[%shift_right_logical3A_1169, %and3A_1172] : memref<200x128xi32, #tpu.memory_space<vmem>>[vector<16xi32>, vector<16xi32>], vector<16xi32>,
          %shift_right_logical3A_1174 = arith.constant 7 : i32
          %shift_right_logical3A_1175 = vector.broadcast %shift_right_logical3A_1174 : i32 to vector<16xi32>
          %shift_right_logical3A_1176 = arith.shrui %add3A_1166, %shift_right_logical3A_1175 : vector<16xi32>
          %and3A_1177 = arith.constant 127 : i32
          %and3A_1178 = vector.broadcast %and3A_1177 : i32 to vector<16xi32>
          %and3A_1179 = arith.andi %add3A_1166, %and3A_1178 : vector<16xi32>
          %gather3A_1180 = tpu.vector_load_idx %arg6[%shift_right_logical3A_1176, %and3A_1179] : memref<200x128xi32, #tpu.memory_space<vmem>>[vector<16xi32>, vector<16xi32>], vector<16xi32>,
          %mul3A_1181 = arith.constant 81 : i32
          %mul3A_1182 = vector.broadcast %mul3A_1181 : i32 to vector<16xi32>
          %mul3A_1183 = arith.muli %gather3A_1173, %mul3A_1182 : vector<16xi32>
          %add3A_1184 = arith.addi %mul3A_1183, %gather3A_1180 : vector<16xi32>
          %and3A_1185 = arith.constant 3 : i32
          %and3A_1186 = arith.andi %add3A_973, %and3A_1185 : i32
          %swap3A_1187 = arith.index_cast %and3A_1186 : i32 to index
          %swap3A_1188 = arith.constant 80 : index
          %swap3A_1189 = tpu.vector_load %arg7[%swap3A_1187, %swap3A_1188] {strides = array<i32>} : memref<4x128xi32, #tpu.memory_space<vmem>>, vector<16xi32>,
          tpu.vector_store %arg7[%swap3A_1187, %swap3A_1188], %add3A_1184 {strides = array<i32>} : memref<4x128xi32, #tpu.memory_space<vmem>>, vector<16xi32>,
          %add3A_1190 = arith.constant 96 : i32
          %add3A_1191 = vector.broadcast %add3A_1190 : i32 to vector<16xi32>
          %add3A_1192 = arith.addi %add3A_1191, %iota3A : vector<16xi32>
          %mul3A_1193 = arith.constant 200 : i32
          %mul3A_1194 = vector.broadcast %mul3A_1193 : i32 to vector<16xi32>
          %mul3A_1195 = arith.muli %add3A_1192, %mul3A_1194 : vector<16xi32>
          %mul3A_1196 = arith.constant 2 : i32
          %mul3A_1197 = arith.muli %mul3A_1196, %add3A_973 : i32
          %add3A_1198 = vector.broadcast %mul3A_1197 : i32 to vector<16xi32>
          %add3A_1199 = arith.addi %mul3A_1195, %add3A_1198 : vector<16xi32>
          %add3A_1200 = arith.constant 1 : i32
          %add3A_1201 = vector.broadcast %add3A_1200 : i32 to vector<16xi32>
          %add3A_1202 = arith.addi %add3A_1199, %add3A_1201 : vector<16xi32>
          %shift_right_logical3A_1203 = arith.constant 7 : i32
          %shift_right_logical3A_1204 = vector.broadcast %shift_right_logical3A_1203 : i32 to vector<16xi32>
          %shift_right_logical3A_1205 = arith.shrui %add3A_1199, %shift_right_logical3A_1204 : vector<16xi32>
          %and3A_1206 = arith.constant 127 : i32
          %and3A_1207 = vector.broadcast %and3A_1206 : i32 to vector<16xi32>
          %and3A_1208 = arith.andi %add3A_1199, %and3A_1207 : vector<16xi32>
          %gather3A_1209 = tpu.vector_load_idx %arg6[%shift_right_logical3A_1205, %and3A_1208] : memref<200x128xi32, #tpu.memory_space<vmem>>[vector<16xi32>, vector<16xi32>], vector<16xi32>,
          %shift_right_logical3A_1210 = arith.constant 7 : i32
          %shift_right_logical3A_1211 = vector.broadcast %shift_right_logical3A_1210 : i32 to vector<16xi32>
          %shift_right_logical3A_1212 = arith.shrui %add3A_1202, %shift_right_logical3A_1211 : vector<16xi32>
          %and3A_1213 = arith.constant 127 : i32
          %and3A_1214 = vector.broadcast %and3A_1213 : i32 to vector<16xi32>
          %and3A_1215 = arith.andi %add3A_1202, %and3A_1214 : vector<16xi32>
          %gather3A_1216 = tpu.vector_load_idx %arg6[%shift_right_logical3A_1212, %and3A_1215] : memref<200x128xi32, #tpu.memory_space<vmem>>[vector<16xi32>, vector<16xi32>], vector<16xi32>,
          %mul3A_1217 = arith.constant 81 : i32
          %mul3A_1218 = vector.broadcast %mul3A_1217 : i32 to vector<16xi32>
          %mul3A_1219 = arith.muli %gather3A_1209, %mul3A_1218 : vector<16xi32>
          %add3A_1220 = arith.addi %mul3A_1219, %gather3A_1216 : vector<16xi32>
          %and3A_1221 = arith.constant 3 : i32
          %and3A_1222 = arith.andi %add3A_973, %and3A_1221 : i32
          %swap3A_1223 = arith.index_cast %and3A_1222 : i32 to index
          %swap3A_1224 = arith.constant 96 : index
          %swap3A_1225 = tpu.vector_load %arg7[%swap3A_1223, %swap3A_1224] {strides = array<i32>} : memref<4x128xi32, #tpu.memory_space<vmem>>, vector<16xi32>,
          tpu.vector_store %arg7[%swap3A_1223, %swap3A_1224], %add3A_1220 {strides = array<i32>} : memref<4x128xi32, #tpu.memory_space<vmem>>, vector<16xi32>,
          %add3A_1226 = arith.constant 112 : i32
          %add3A_1227 = vector.broadcast %add3A_1226 : i32 to vector<16xi32>
          %add3A_1228 = arith.addi %add3A_1227, %iota3A : vector<16xi32>
          %mul3A_1229 = arith.constant 200 : i32
          %mul3A_1230 = vector.broadcast %mul3A_1229 : i32 to vector<16xi32>
          %mul3A_1231 = arith.muli %add3A_1228, %mul3A_1230 : vector<16xi32>
          %mul3A_1232 = arith.constant 2 : i32
          %mul3A_1233 = arith.muli %mul3A_1232, %add3A_973 : i32
          %add3A_1234 = vector.broadcast %mul3A_1233 : i32 to vector<16xi32>
          %add3A_1235 = arith.addi %mul3A_1231, %add3A_1234 : vector<16xi32>
          %add3A_1236 = arith.constant 1 : i32
          %add3A_1237 = vector.broadcast %add3A_1236 : i32 to vector<16xi32>
          %add3A_1238 = arith.addi %add3A_1235, %add3A_1237 : vector<16xi32>
          %shift_right_logical3A_1239 = arith.constant 7 : i32
          %shift_right_logical3A_1240 = vector.broadcast %shift_right_logical3A_1239 : i32 to vector<16xi32>
          %shift_right_logical3A_1241 = arith.shrui %add3A_1235, %shift_right_logical3A_1240 : vector<16xi32>
          %and3A_1242 = arith.constant 127 : i32
          %and3A_1243 = vector.broadcast %and3A_1242 : i32 to vector<16xi32>
          %and3A_1244 = arith.andi %add3A_1235, %and3A_1243 : vector<16xi32>
          %gather3A_1245 = tpu.vector_load_idx %arg6[%shift_right_logical3A_1241, %and3A_1244] : memref<200x128xi32, #tpu.memory_space<vmem>>[vector<16xi32>, vector<16xi32>], vector<16xi32>,
          %shift_right_logical3A_1246 = arith.constant 7 : i32
          %shift_right_logical3A_1247 = vector.broadcast %shift_right_logical3A_1246 : i32 to vector<16xi32>
          %shift_right_logical3A_1248 = arith.shrui %add3A_1238, %shift_right_logical3A_1247 : vector<16xi32>
          %and3A_1249 = arith.constant 127 : i32
          %and3A_1250 = vector.broadcast %and3A_1249 : i32 to vector<16xi32>
          %and3A_1251 = arith.andi %add3A_1238, %and3A_1250 : vector<16xi32>
          %gather3A_1252 = tpu.vector_load_idx %arg6[%shift_right_logical3A_1248, %and3A_1251] : memref<200x128xi32, #tpu.memory_space<vmem>>[vector<16xi32>, vector<16xi32>], vector<16xi32>,
          %mul3A_1253 = arith.constant 81 : i32
          %mul3A_1254 = vector.broadcast %mul3A_1253 : i32 to vector<16xi32>
          %mul3A_1255 = arith.muli %gather3A_1245, %mul3A_1254 : vector<16xi32>
          %add3A_1256 = arith.addi %mul3A_1255, %gather3A_1252 : vector<16xi32>
          %and3A_1257 = arith.constant 3 : i32
          %and3A_1258 = arith.andi %add3A_973, %and3A_1257 : i32
          %swap3A_1259 = arith.index_cast %and3A_1258 : i32 to index
          %swap3A_1260 = arith.constant 112 : index
          %swap3A_1261 = tpu.vector_load %arg7[%swap3A_1259, %swap3A_1260] {strides = array<i32>} : memref<4x128xi32, #tpu.memory_space<vmem>>, vector<16xi32>,
          tpu.vector_store %arg7[%swap3A_1259, %swap3A_1260], %add3A_1256 {strides = array<i32>} : memref<4x128xi32, #tpu.memory_space<vmem>>, vector<16xi32>,
        } else {
        }
        %dma_wait3A_962 = arith.constant 0 : i32
        %dma_wait3A_963 = tpu.memref_slice %arg7[%and3A_948, %dma_wait3A_962] : memref<4x128xi32, #tpu.memory_space<vmem>> -> memref<1x128xi32, #tpu.memory_space<vmem>>
        %dma_wait3A_964 = tpu.memref_squeeze %dma_wait3A_963 : memref<1x128xi32, #tpu.memory_space<vmem>> -> memref<128xi32, #tpu.memory_space<vmem>>
        %dma_wait3A_965 = arith.constant 0 : i32
        %dma_wait3A_966 = arith.constant 0 : i32
        %dma_wait3A_967 = tpu.memref_slice %arg5[%dma_wait3A_965, %dma_wait3A_966] : memref<6561x128xf32, #tpu.memory_space<vmem_shared>> -> memref<6561x128xf32, #tpu.memory_space<vmem_shared>>
        tpu.wait_indirect_dma semaphore(%arg11 : memref<!tpu.dma_semaphore, #tpu.memory_space<semaphore_mem>>) src(%dma_wait3A_967 : memref<6561x128xf32, #tpu.memory_space<vmem_shared>>) dst(%arg10 : memref<128x128xf32, #tpu.memory_space<vmem>>)
        %mul3A_968 = arith.constant 128 : i32
        %mul3A_969 = arith.muli %add3A_941, %mul3A_968 : i32
        %dma_start3A_970 = tpu.memref_slice %arg4[%add3A_834, %mul3A_969] : memref<16384x12800xf32, #tpu.memory_space<hbm>> -> memref<128x128xf32, #tpu.memory_space<hbm>>
        %dma_start3A_971 = tpu.memref_slice %arg4[%add3A_834, %mul3A_969] : memref<16384x12800xf32, #tpu.memory_space<hbm>> -> memref<128x128xf32, #tpu.memory_space<hbm>>
        tpu.enqueue_dma source(%arg10 : memref<128x128xf32, #tpu.memory_space<vmem>>) target(%dma_start3A_971 : memref<128x128xf32, #tpu.memory_space<hbm>>) target_semaphore(%arg14 : memref<!tpu.dma_semaphore, #tpu.memory_space<semaphore_mem>>)
      }
      %scan3A_840 = arith.constant 33 : i32
      %dma_wait3A = arith.constant 12288 : i32
      %dma_wait3A_841 = tpu.memref_slice %arg4[%add3A_834, %dma_wait3A] : memref<16384x12800xf32, #tpu.memory_space<hbm>> -> memref<128x128xf32, #tpu.memory_space<hbm>>
      %dma_wait3A_842 = arith.constant 12288 : i32
      %dma_wait3A_843 = tpu.memref_slice %arg4[%add3A_834, %dma_wait3A_842] : memref<16384x12800xf32, #tpu.memory_space<hbm>> -> memref<128x128xf32, #tpu.memory_space<hbm>>
      tpu.wait_dma2 semaphore(%arg12 : memref<!tpu.dma_semaphore, #tpu.memory_space<semaphore_mem>>) src(%arg8 : memref<128x128xf32, #tpu.memory_space<vmem>>) dst(%dma_wait3A_843 : memref<128x128xf32, #tpu.memory_space<hbm>>)
      %dma_start3A = arith.constant 3 : i32
      %dma_start3A_844 = arith.constant 0 : i32
      %dma_start3A_845 = tpu.memref_slice %arg7[%dma_start3A, %dma_start3A_844] : memref<4x128xi32, #tpu.memory_space<vmem>> -> memref<1x128xi32, #tpu.memory_space<vmem>>
      %dma_start3A_846 = tpu.memref_squeeze %dma_start3A_845 : memref<1x128xi32, #tpu.memory_space<vmem>> -> memref<128xi32, #tpu.memory_space<vmem>>
      %dma_start3A_847 = arith.constant 0 : i32
      %dma_start3A_848 = arith.constant 0 : i32
      %dma_start3A_849 = tpu.memref_slice %arg5[%dma_start3A_847, %dma_start3A_848] : memref<6561x128xf32, #tpu.memory_space<vmem_shared>> -> memref<6561x128xf32, #tpu.memory_space<vmem_shared>>
      tpu.enqueue_indirect_dma source(%dma_start3A_849 : memref<6561x128xf32, #tpu.memory_space<vmem_shared>>) target(%arg8 : memref<128x128xf32, #tpu.memory_space<vmem>>) offsets(%dma_start3A_846 : memref<128xi32, #tpu.memory_space<vmem>>) semaphore(%arg11 : memref<!tpu.dma_semaphore, #tpu.memory_space<semaphore_mem>>)
      %dma_wait3A_850 = arith.constant 3 : i32
      %dma_wait3A_851 = arith.constant 0 : i32
      %dma_wait3A_852 = tpu.memref_slice %arg7[%dma_wait3A_850, %dma_wait3A_851] : memref<4x128xi32, #tpu.memory_space<vmem>> -> memref<1x128xi32, #tpu.memory_space<vmem>>
      %dma_wait3A_853 = tpu.memref_squeeze %dma_wait3A_852 : memref<1x128xi32, #tpu.memory_space<vmem>> -> memref<128xi32, #tpu.memory_space<vmem>>
      %dma_wait3A_854 = arith.constant 0 : i32
      %dma_wait3A_855 = arith.constant 0 : i32
      %dma_wait3A_856 = tpu.memref_slice %arg5[%dma_wait3A_854, %dma_wait3A_855] : memref<6561x128xf32, #tpu.memory_space<vmem_shared>> -> memref<6561x128xf32, #tpu.memory_space<vmem_shared>>
      tpu.wait_indirect_dma semaphore(%arg11 : memref<!tpu.dma_semaphore, #tpu.memory_space<semaphore_mem>>) src(%dma_wait3A_856 : memref<6561x128xf32, #tpu.memory_space<vmem_shared>>) dst(%arg8 : memref<128x128xf32, #tpu.memory_space<vmem>>)
      %dma_start3A_857 = arith.constant 12672 : i32
      %dma_start3A_858 = tpu.memref_slice %arg4[%add3A_834, %dma_start3A_857] : memref<16384x12800xf32, #tpu.memory_space<hbm>> -> memref<128x128xf32, #tpu.memory_space<hbm>>
      %dma_start3A_859 = arith.constant 12672 : i32
      %dma_start3A_860 = tpu.memref_slice %arg4[%add3A_834, %dma_start3A_859] : memref<16384x12800xf32, #tpu.memory_space<hbm>> -> memref<128x128xf32, #tpu.memory_space<hbm>>
      tpu.enqueue_dma source(%arg8 : memref<128x128xf32, #tpu.memory_space<vmem>>) target(%dma_start3A_860 : memref<128x128xf32, #tpu.memory_space<hbm>>) target_semaphore(%arg12 : memref<!tpu.dma_semaphore, #tpu.memory_space<semaphore_mem>>)
      %dma_wait3A_861 = arith.constant 12416 : i32
      %dma_wait3A_862 = tpu.memref_slice %arg4[%add3A_834, %dma_wait3A_861] : memref<16384x12800xf32, #tpu.memory_space<hbm>> -> memref<128x128xf32, #tpu.memory_space<hbm>>
      %dma_wait3A_863 = arith.constant 12416 : i32
      %dma_wait3A_864 = tpu.memref_slice %arg4[%add3A_834, %dma_wait3A_863] : memref<16384x12800xf32, #tpu.memory_space<hbm>> -> memref<128x128xf32, #tpu.memory_space<hbm>>
      tpu.wait_dma2 semaphore(%arg13 : memref<!tpu.dma_semaphore, #tpu.memory_space<semaphore_mem>>) src(%arg9 : memref<128x128xf32, #tpu.memory_space<vmem>>) dst(%dma_wait3A_864 : memref<128x128xf32, #tpu.memory_space<hbm>>)
      %dma_wait3A_865 = arith.constant 12544 : i32
      %dma_wait3A_866 = tpu.memref_slice %arg4[%add3A_834, %dma_wait3A_865] : memref<16384x12800xf32, #tpu.memory_space<hbm>> -> memref<128x128xf32, #tpu.memory_space<hbm>>
      %dma_wait3A_867 = arith.constant 12544 : i32
      %dma_wait3A_868 = tpu.memref_slice %arg4[%add3A_834, %dma_wait3A_867] : memref<16384x12800xf32, #tpu.memory_space<hbm>> -> memref<128x128xf32, #tpu.memory_space<hbm>>
      tpu.wait_dma2 semaphore(%arg14 : memref<!tpu.dma_semaphore, #tpu.memory_space<semaphore_mem>>) src(%arg10 : memref<128x128xf32, #tpu.memory_space<vmem>>) dst(%dma_wait3A_868 : memref<128x128xf32, #tpu.memory_space<hbm>>)
      %dma_wait3A_869 = arith.constant 12672 : i32
      %dma_wait3A_870 = tpu.memref_slice %arg4[%add3A_834, %dma_wait3A_869] : memref<16384x12800xf32, #tpu.memory_space<hbm>> -> memref<128x128xf32, #tpu.memory_space<hbm>>
      %dma_wait3A_871 = arith.constant 12672 : i32
      %dma_wait3A_872 = tpu.memref_slice %arg4[%add3A_834, %dma_wait3A_871] : memref<16384x12800xf32, #tpu.memory_space<hbm>> -> memref<128x128xf32, #tpu.memory_space<hbm>>
      tpu.wait_dma2 semaphore(%arg12 : memref<!tpu.dma_semaphore, #tpu.memory_space<semaphore_mem>>) src(%arg8 : memref<128x128xf32, #tpu.memory_space<vmem>>) dst(%dma_wait3A_872 : memref<128x128xf32, #tpu.memory_space<hbm>>)
    }
    %scan3A_15 = arith.constant 4 : i32
    return
  }
}

</mosaic_0001>

<sc_bundles>
// kernel: kernel.3.cloned.1.call-start
scs
__scs_entry_jumppad:
0x0: {  	(pc) =	sbr.rel $0x88, $3  }
0x1: {  	(tag) =	ssettag $0x0;
	lr =	simm.s32 $0x1  }
0x2: {  	[smem:$0x3F9F] =	sst lr;
	_ =	strace $0xD0000000  }
0x3: {  	_ = 	snop  }
0x4: {  	_ = 	snop  }
0x5: {  	_ = 	snop  }
0x6: {  	_ = 	snop  }
0x7: {  	_ = 	snop  }
__scs_overlays_trampoline_lowered:
0x8: {  	[smem:$0x3FAE] =	sst s0  }
0x9: {  	[smem:$0x3FAF] =	sst s1  }
0xa: {  	[smem:$0x3FB0] =	sst s2  }
0xb: {  	[smem:$0x3FB1] =	sst s3  }
0xc: {  	[smem:$0x3FB2] =	sst s4  }
0xd: {  	[smem:$0x3FB3] =	sst s5  }
0xe: {  	[smem:$0x3FB4] =	sst s6  }
0xf: {  	[smem:$0x3FB5] =	sst s7  }
0x10: {  	[smem:$0x3FB6] =	sst s8  }
0x11: {  	[smem:$0x3FB7] =	sst s9;
	s0 =	simm.s32 @!p0 $0x0  }
0x12: {  	s1 =	sld [smem:$0x3F9D];
	s0 =	simm.s32 @p0 $0x1  }
0x13: {  	[smem:$0x3FB8] =	sst s0;
	s0 =	simm.s32 @!p1 $0x0  }
0x14: {  	s2 =	sld [smem:$0x3F9C];
	s0 =	simm.s32 @p1 $0x1  }
0x15: {  	[smem:$0x3FB9] =	sst s0;
	s0 =	simm.s32 @!p2 $0x0  }
0x16: {  	s3 =	sld [smem:$0x3FDB];
	s0 =	simm.s32 @p2 $0x1  }
0x17: {  	s4 =	simm.s32 $0x1BF5;
	[smem:$0x3FBB] =	sst s0  }
0x18: {  	s0 =	sld [smem:$0x3F9E];
	_ =	swait.ge [sflag:s4], $0x0  }
0x19: {  	s7 =	sld [smem:$0x3F9F]  }
0x1a: {  	s8 =	sadd.s32 $0xFFFFE003, lr  }
0x1b: {  	s9 =	sadd.s32 $0xFFFFFEF7, lr;
	s5 =	simm.s32 $0xFFFFFFFF;
	p2 =	slt.u32 s8, $0xFFFFF086  }
0x1c: {  	p1 =	slt.u32 s9, $0xF7A;
	s5 =	simm.s32 @!p2 $0x0  }
0x1d: {  	s5 =	simm.s32 @p1 $0x1;
	p0 =	seq.s32 s7, s2  }
0x1e: {  	s7 =	smul.u32 @!p0 $0xF7A, s2;
	p2 =	seq.s32 @!p0 s5, $0x0  }
0x1f: {  	s9 =	smul.u32 $0xF7A, s1;
	s8 =	simm.s32 @!p0 $0x1BF5;
	p2 =	por !p2, p0  }
0x20: {  	[sflag:s8] =	ssyncset.s32 @!p0 $0xFFFFF086;
	s6 =	sadd.s32 @!p0 s3, s7;
	s7 =	simm.s32 @!p0 $0x108  }
0x21: {  	s3 =	sadd.s32 s3, s9;
	s6 =	sadd.s32 @!p0 $0x88, s6;
	s7 =	simm.s32 @p2 $0x1082  }
0x22: {  	[simem:s7], [sflag:s8] =	dma.local @!p0 [hbm:s6], $0xF7A  }
0x23: {  	s9 =	sor.u32 $0xD0000000, s2;
	s6 =	simm.s32 $0x108;
	_ =	swait.ge @!p0 [sflag:s8], $0x0  }
0x24: {  	s3 =	sadd.s32 $0x88, s3;
	s6 =	simm.s32 @!p1 $0x1082;
	[sflag:s4] =	ssyncset.s32 $0xFFFFF086  }
0x25: {  	[simem:s6], [sflag:s4] =	dma.local [hbm:s3], $0xF7A  }
0x26: {  	[smem:$0x3F9F] =	sst s1;
	(tag) =	ssettag s2;
	_ =	strace s9  }
0x27: {  	s1 =	sld [smem:$0x3FAF]  }
0x28: {  	s2 =	sld [smem:$0x3FB0]  }
0x29: {  	s4 =	sld [smem:$0x3FB2]  }
0x2a: {  	p0 =	seq.s32 s5, $0x0;
	s5 =	sld [smem:$0x3FB3]  }
0x2b: {  	s6 =	sld [smem:$0x3FB4]  }
0x2c: {  	s7 =	sld [smem:$0x3FB5]  }
0x2d: {  	s3 =	simm.s32 $0x108;
	s8 =	sld [smem:$0x3FB6]  }
0x2e: {  	s3 =	simm.s32 @!p0 $0x1082;
	s9 =	sld [smem:$0x3FB7]  }
0x2f: {  	lr =	sadd.s32 s0, s3;
	s0 =	sld [smem:$0x3FAE]  }
0x30: {  	s3 =	sld [smem:$0x3FB1]  }
0x31: {  	[smem:$0x3FBA] =	sst s10  }
0x32: {  	s10 =	sld [smem:$0x3FB8];
	_ =	sdelay $0x3  }
0x33: {  	p0 =	seq.s32 s10, $0x1;
	s10 =	sld [smem:$0x3FBA];
	_ =	sdelay $0x3  }
0x34: {  	[smem:$0x3FBA] =	sst s10  }
0x35: {  	s10 =	sld [smem:$0x3FB9];
	_ =	sdelay $0x3  }
0x36: {  	p1 =	seq.s32 s10, $0x1;
	s10 =	sld [smem:$0x3FBA];
	_ =	sdelay $0x3  }
0x37: {  	[smem:$0x3FBA] =	sst s10  }
0x38: {  	s10 =	sld [smem:$0x3FBB]  }
0x39: {  	_ = 	snop;
	(pc) =	sbr.ind lr, $3  }
0x3a: {  	_ = 	snop  }
0x3b: {  	_ = 	snop  }
0x3c: {  	p2 =	seq.s32 s10, $0x1;
	s10 =	sld [smem:$0x3FBA]  }
0x3d: {  	_ =	shalt  }
0x3e: {  	_ =	shalt  }
0x3f: {  	_ =	shalt  }
0x40: {  	_ =	shalt  }
0x41: {  	_ =	shalt  }
0x42: {  	_ =	shalt  }
0x43: {  	_ =	shalt  }
0x44: {  	_ =	shalt  }
0x45: {  	_ =	shalt  }
0x46: {  	_ =	shalt  }
0x47: {  	_ =	shalt  }
0x48: {  	_ =	shalt  }
0x49: {  	_ =	shalt  }
0x4a: {  	_ =	shalt  }
0x4b: {  	_ =	shalt  }
0x4c: {  	_ =	shalt  }
0x4d: {  	_ =	shalt  }
0x4e: {  	_ =	shalt  }
0x4f: {  	_ =	shalt  }
0x50: {  	_ =	shalt  }
0x51: {  	_ =	shalt  }
0x52: {  	_ =	shalt  }
0x53: {  	_ =	shalt  }
0x54: {  	_ =	shalt  }
0x55: {  	_ =	shalt  }
0x56: {  	_ =	shalt  }
0x57: {  	_ =	shalt  }
0x58: {  	_ =	shalt  }
0x59: {  	_ =	shalt  }
0x5a: {  	_ =	shalt  }
0x5b: {  	_ =	shalt  }
0x5c: {  	_ =	shalt  }
0x5d: {  	_ =	shalt  }
0x5e: {  	_ =	shalt  }
0x5f: {  	_ =	shalt  }
0x60: {  	_ =	shalt  }
0x61: {  	_ =	shalt  }
0x62: {  	_ =	shalt  }
0x63: {  	_ =	shalt  }
0x64: {  	_ =	shalt  }
0x65: {  	_ =	shalt  }
0x66: {  	_ =	shalt  }
0x67: {  	_ =	shalt  }
0x68: {  	_ =	shalt  }
0x69: {  	_ =	shalt  }
0x6a: {  	_ =	shalt  }
0x6b: {  	_ =	shalt  }
0x6c: {  	_ =	shalt  }
0x6d: {  	_ =	shalt  }
0x6e: {  	_ =	shalt  }
0x6f: {  	_ =	shalt  }
0x70: {  	_ =	shalt  }
0x71: {  	_ =	shalt  }
0x72: {  	_ =	shalt  }
0x73: {  	_ =	shalt  }
0x74: {  	_ =	shalt  }
0x75: {  	_ =	shalt  }
0x76: {  	_ =	shalt  }
0x77: {  	_ =	shalt  }
0x78: {  	_ =	shalt  }
0x79: {  	_ =	shalt  }
0x7a: {  	_ =	shalt  }
0x7b: {  	_ =	shalt  }
0x7c: {  	_ =	shalt  }
0x7d: {  	_ =	shalt  }
0x7e: {  	_ =	shalt  }
0x7f: {  	_ =	shalt  }
0x80: {  	_ =	shalt  }
0x81: {  	_ =	shalt  }
0x82: {  	_ =	shalt  }
0x83: {  	_ =	shalt  }
0x84: {  	_ =	shalt  }
0x85: {  	_ =	shalt  }
0x86: {  	_ =	shalt  }
0x87: {  	_ =	shalt  }
.Lfunc_end0:
.L_simem_size_0:
called_computation_lowered:
.L_overlay_start_0:
0x88: {  	s2 =	sld [smem:$0x3FD9]  }
0x89: {  	s3 =	sld [smem:$0x3FFE];
	_ =	sdelay $0x1  }
0x8a: {  	s1 =	srdreg.scid  }
0x8b: {  	s0 =	sand.u32 $0x1, s1  }
0x8c: {  	s17 =	sshll.u32 s0, $0xA;
	s2 =	sadd.s32 s3, s2  }
0x8d: {  	s2 =	sadd.s32 s2, s17  }
0x8e: {  	[smem:$0x3FC6] =	sst s2  }
0x8f: {  	_ = 	snop  }
0x90: {  	s2 =	sld [smem:$0x3FD0];
	(tm) =	ssettm $0x1  }
0x91: {  	s18 =	sld [smem:$0x3FFB];
	_ =	sdelay $0x3  }
0x92: {  	_ =	strace s18  }
0x93: {  	s3 =	sld [smem:$0x3FFC];
	_ =	sdelay $0x3  }
0x94: {  	_ =	strace s3  }
0x95: {  	s3 =	sld [smem:$0x3FFD];
	_ =	sdelay $0x3  }
0x96: {  	_ =	strace s3  }
0x97: {  	_ =	strace $0x8FFFFFFF  }
0x98: {  	s19 =	sld [smem:$0x3FDB];
	_ =	sdelay $0x1  }
0x99: {  	s4 =	simm.s32 $_scs_section_size  }
0x9a: {  	s5 =	simm.s32 $_size__tile_overlayer_lowered;
	s6 =	simm.s32 $_tile_overlayer_lowered  }
0x9b: {  	s22 =	simm.s32 $0x1BFF;
	s21 =	sshll.u32 s6, $0x1;
	s3 =	sadd.s32 s4, s19  }
0x9c: {  	s7 =	simm.s32 $0x0;
	s20 =	sshll.u32 s5, $0x1;
	s5 =	sadd.s32 s21, s3  }
0x9d: {  	[timem:s7], [sflag:s22] =	dma.local [hbm:s5], s20  }
0x9e: {  	_ =	swait.ge [sflag:s22], s20  }
0x9f: {  	s4 =	ssub.s32 $0x0, s20;
	[sflag:s22] =	ssyncset.done $0x0  }
0xa0: {  	[sflag:s22] =	ssyncadd.s32 s4;
	_ =	sdelay $0x1  }
0xa1: {  	s23 =	simm.s32 $0x1B8B  }
0xa2: {  	_ =	swait.ge [sflag:s23], $0x1  }
0xa3: {  	[sflag:s23] =	ssyncset.done $0x0  }
0xa4: {  	s25 =	simm.s32 $0x1B8E;
	s24 =	sld [smem:$0x3FFE];
	[sflag:s23] =	ssyncadd.s32 $0xFFFFFFFF  }
0xa5: {  	s26 =	simm.s32 $execute0_lowered;
	[smem:$0x3FD2] =	sst s25  }
0xa6: {  	s5 =	sshll.u32 s26, $0x1;
	_ =	strace $0x80000046;
	[dreg:$0x1] =	wrdreg $0xFFFFFFFF  }
0xa7: {  	s28 =	simm.s32 $_size_execute0_lowered;
	s3 =	sadd.s32 s3, s5;
	[dreg:$0x0] =	wrdreg $0x0  }
0xa8: {  	s5 =	sshll.u32 s28, $0x1;
	[dreg:$0x2] =	wrdreg s3  }
0xa9: {  	[dreg:$0x3] =	wrdreg s5  }
0xaa: {  	[dreg:$0x4] =	wrdreg $0xC0  }
0xab: {  	_ =	task [dreg:s7], $0x5FFFF  }
0xac: {  	[dreg:$0x1] =	wrdreg $0xFFFFFFFF  }
0xad: {  	[dreg:$0x0] =	wrdreg $0x60  }
0xae: {  	[dreg:$0x2] =	wrdreg s24  }
0xaf: {  	[dreg:$0x3] =	wrdreg s2  }
0xb0: {  	[dreg:$0x4] =	wrdreg $0x0  }
0xb1: {  	[dreg:$0x5] =	wrdreg $0x9  }
0xb2: {  	_ =	task.clear_ibuf [dreg:s7], $0x6FFFF;
	_ =	strace $0x90000046  }
0xb3: {  	s29 =	simm.s32 $0x9;
	_ =	strace $0x80000048  }
0xb4: {  	_ =	swait.ge [sflag:s29], $0x1  }
0xb5: {  	[sflag:s29] =	ssyncadd.s32 $0xFFFFFFFF  }
0xb6: {  	_ =	strace $0x90000048  }
0xb7: {  	_ =	sfence  }
0xb8: {  	s30 =	sld [smem:$0x0];
	_ =	sdelay $0x2  }
0xb9: {  	s31 =	sshll.u32 s1, $0xD;
	s1 =	sshrl.u32 s1, $0x2  }
0xba: {  	s3 =	sand.u32 $0x4000, s31;
	s1 =	sadd.s32 s1, s30  }
0xbb: {  	s0 =	sor.u32 s3, s0;
	s1 =	sshll.u32 s1, $0x11  }
0xbc: {  	s0 =	sor.u32 s1, s0  }
0xbd: {  	s0 =	sadd.s32 $0x8F2B, s0  }
0xbe: {  	[sflag:s0] =	ssyncadd.remote.s32 $0x1  }
0xbf: {  	_ =	sfence.sel $0xFFFF  }
0xc0: {  	[dreg:$0x0] =	wrdreg $0xFFFFFFFF;
	(pc) =	sbr.abs _section_cstart, $3  }
0xc1: {  	[dreg:$0x1] =	wrdreg $0xFFFFFFFF  }
0xc2: {  	_ =	task.clear_ibuf [dreg:s7], $0x2FFFF;
	_ =	strace $0x9FFFFFFF  }
0xc3: {  	(tm) =	ssettm $0x7FFFFFFF  }
tec
execute0_lowered:
.L_overlay_start_1:
0x0: {  	(tag) =	ssettag $0x1  }
0x1: {  	v0 =	vlaneseq.u32  }
0x2: {  	v0 =	vmul.u32 $0xC8, v0;
	_ =	sdelay $0x1  }
0x3: {  	s1 =	rddreg [dreg:$0x0];
	v1 =	vor.u32 $0x1, v0;
	v2 =	vadd.s32 $0xC80, v0  }
0x4: {  	s0 =	rddreg [dreg:$0x1];
	v3 =	vadd.s32 $0xC81, v0;
	v4 =	vadd.s32 $0x1900, v0;
	v5 =	vadd.s32 $0x1901, v0  }
0x5: {  	s2 =	rddreg [dreg:$0x2];
	s4 =	srdreg.scid;
	s5 =	simm.s32 $0x0;
	v6 =	vadd.s32 $0x2580, v0;
	v7 =	vadd.s32 $0x2581, v0;
	v8 =	vadd.s32 $0x3200, v0  }
0x6: {  	s3 =	stileid.u32;
	s11 =	simm.s32 $0x17308;
	s12 =	simm.s32 $0x5;
	v9 =	vadd.s32 $0x3201, v0;
	v10 =	vadd.s32 $0x3E80, v0;
	v11 =	vadd.s32 $0x3E81, v0  }
0x7: {  	s13 =	simm.s32 $0x13308;
	s14 =	simm.s32 $0xCD08;
	s15 =	simm.s32 $0x80;
	v12 =	vadd.s32 $0x4B00, v0;
	v13 =	vadd.s32 $0x4B01, v0;
	v14 =	vadd.s32 $0x5780, v0  }
0x8: {  	s16 =	simm.s32 $0x1;
	s17 =	simm.s32 $0x400;
	s18 =	simm.s32 $0x19000;
	v15 =	vadd.s32 $0x5781, v0;
	v16 =	vor.u32 $0x2, v0;
	v17 =	vor.u32 $0x3, v0  }
0x9: {  	s19 =	simm.s32 $0x13188;
	s20 =	simm.s32 $0x1B308;
	s21 =	simm.s32 $0x2;
	v18 =	vadd.s32 $0xC82, v0;
	v19 =	vadd.s32 $0xC83, v0;
	v20 =	vadd.s32 $0x1902, v0  }
0xa: {  	s22 =	simm.s32 $0x13288;
	s23 =	simm.s32 $0x3;
	s24 =	simm.s32 $0x4;
	v21 =	vadd.s32 $0x1903, v0;
	v22 =	vadd.s32 $0x2582, v0;
	v23 =	vadd.s32 $0x2583, v0  }
0xb: {  	s25 =	simm.s32 $0x0;
	s4 =	sand.u32 $0x1, s4;
	[smem:$0x7FF] =	sst s5;
	v24 =	vadd.s32 $0x3202, v0;
	v25 =	vadd.s32 $0x3203, v0;
	v26 =	vadd.s32 $0x3E82, v0  }
0xc: {  	s26 =	sshll.u32 s3, $0xA;
	s7 =	sadd.s32 $0x64400, s1;
	s6 =	sshll.u32 s4, $0x9;
	v27 =	vadd.s32 $0x3E83, v0;
	v28 =	vadd.s32 $0x4B02, v0;
	v29 =	vadd.s32 $0x4B03, v0  }
0xd: {  	s29 =	sshll.u32 s3, $0x1;
	s28 =	ssub.s32 $0x2, s4;
	s5 =	sor.u32 s6, s26;
	v30 =	vadd.s32 $0x5782, v0;
	v31 =	vadd.s32 $0x5783, v0;
	v32 =	vor.u32 $0x4, v0  }
.Ltmp0:
0xe: {  	s8 =	sshrl.u32 s28, $0x1;
	v33 =	vor.u32 $0x5, v0;
	v34 =	vadd.s32 $0xC84, v0;
	v35 =	vadd.s32 $0xC85, v0;
	s5 =	sshrl.u32 s5, $0x3;
	(pc) =	sbr.rel .LBB2_1-.Ltmp0, $4  }
0xf: {  	_ =	strace $0x80000047;
	v36 =	vadd.s32 $0x1904, v0;
	v37 =	vadd.s32 $0x1905, v0;
	v38 =	vadd.s32 $0x2584, v0;
	s30 =	ssub.s32 s28, s8;
	s5 =	smul.u32 $0x3200, s5  }
0x10: {  	[dreg:$0x4] =	wrdreg s7;
	s6 =	sadd.s32 $0x400, s1;
	v39 =	vadd.s32 $0x2585, v0;
	v40 =	vadd.s32 $0x3204, v0;
	v41 =	vadd.s32 $0x3205, v0;
	s1 =	smax.u32 s30, $0x1  }
0x11: {  	s4 =	sor.u32 s4, s29;
	v42 =	vadd.s32 $0x3E84, v0;
	v43 =	vadd.s32 $0x3E85, v0;
	v44 =	vadd.s32 $0x4B04, v0;
	[dreg:$0x5] =	wrdreg s1;
	s31 =	sadd.s32 s5, s0  }
0x12: {  	s7 =	smul.u32 $0x320, s4;
	v45 =	vadd.s32 $0x4B05, v0;
	v46 =	vadd.s32 $0x5784, v0;
	v47 =	vadd.s32 $0x5785, v0;
	s8 =	sshll.u32 s4, $0x9;
	[dreg:$0x6] =	wrdreg s31  }
.LBB2_15:
0x13: {  	s25 =	sadd.s32 $0x1, s25;
	s1 =	rddreg [dreg:$0x5]  }
0x14: {  	p0 =	sne.s32 s25, s1  }
.Ltmp1:
0x15: {  	_ = 	snop;
	(pc) =	sbr.rel @!p0 .LBB2_16-.Ltmp1, $1  }
0x16: {  	_ =	sdelay $0x3  }
.LBB2_1:
.Ltmp2:
0x17: {  	s1 =	simm.s32 $0x0;
	s4 =	rddreg [dreg:$0x4];
	(pc) =	sbr.rel .LBB2_2-.Ltmp2, $4  }
0x18: {  	[tilespmem:s11], [sflag:$0x5] =	stream.linear.gather [hbm4b:s4+s1], $0x2C00, $0x38;
	[tilespmem:$0x1F308] =	vst v63  }
0x19: {  	_ =	swait.ge [sflag:s12], $0x2C00  }
0x1a: {  	[sflag:s12] =	ssyncset.done $0x0  }
0x1b: {  	s1 =	simm.s32 $0x0;
	[sflag:s12] =	ssyncadd.s32 $0xFFFFD400  }
.LBB2_6:
0x1c: {  	s1 =	sadd.s32 $0x1, s1  }
0x1d: {  	p0 =	sne.s32 s1, $0x6  }
.Ltmp3:
0x1e: {  	_ = 	snop;
	(pc) =	sbr.rel @!p0 .LBB2_7-.Ltmp3, $1  }
0x1f: {  	_ =	sdelay $0x3  }
.LBB2_2:
0x20: {  	s4 =	sshll.u32 s1, $0x4  }
0x21: {  	s4 =	sor.u32 s3, s4  }
0x22: {  	p0 =	sgt.u32 s4, $0x50  }
.Ltmp4:
0x23: {  	_ = 	snop;
	(pc) =	sbr.rel @p0 .LBB2_6-.Ltmp4, $1  }
0x24: {  	_ =	sdelay $0x3  }
0x25: {  	s5 =	sshll.u32 s4, $0x7  }
0x26: {  	s5 =	sand.u32 $0x3FFFFF80, s5  }
0x27: {  	v51 =	vld [tilespmem:s5+$0x17308]  }
0x28: {  	v50 =	vld [tilespmem:s5+$0x17318]  }
0x29: {  	v49 =	vld [tilespmem:s5+$0x17328]  }
0x2a: {  	v48 =	vld [tilespmem:s5+$0x17338];
	s5 =	simm.s32 $0x0  }
0x2b: {  	v53 =	vld [tilespmem:s5+$0x17338]  }
0x2c: {  	v54 =	vld [tilespmem:s5+$0x17308];
	[tilespmem:s5+$0x13308] =	vst v51  }
0x2d: {  	v55 =	vld [tilespmem:s5+$0x17318];
	[tilespmem:s5+$0x13318] =	vst v50  }
0x2e: {  	v52 =	vld [tilespmem:s5+$0x17328];
	[tilespmem:s5+$0x13328] =	vst v49  }
0x2f: {  	[tilespmem:s5+$0x13338] =	vst v48  }
0x30: {  	[tilespmem:s5+$0x13378] =	vst v53  }
0x31: {  	[tilespmem:s5+$0x13348] =	vst v54  }
0x32: {  	s26 =	simm.s32 $0x80;
	s9 =	simm.s32 $0x400;
	[tilespmem:s5+$0x13358] =	vst v55  }
.LBB2_4:
0x33: {  	p0 =	sne.s32 s9, $0xA000;
	v53 =	vld [tilespmem:s26+$0x17338];
	[tilespmem:s5+$0x13368] =	vst v52;
	s5 =	smov.u32 s26  }
0x34: {  	[tilespmem:s5+$0x13308] =	vst v51;
	v54 =	vld [tilespmem:s5+$0x17308]  }
0x35: {  	[tilespmem:s5+$0x13318] =	vst v50;
	v55 =	vld [tilespmem:s5+$0x17318]  }
.Ltmp5:
0x36: {  	[tilespmem:s5+$0x13328] =	vst v49;
	v52 =	vld [tilespmem:s5+$0x17328];
	(pc) =	sbr.rel @p0 .LBB2_4-.Ltmp5, $4  }
0x37: {  	[tilespmem:s5+$0x13338] =	vst v48  }
0x38: {  	[tilespmem:s5+$0x13378] =	vst v53  }
0x39: {  	[tilespmem:s5+$0x13348] =	vst v54  }
0x3a: {  	s26 =	sshra.s32 s9, $0x2;
	s9 =	sadd.s32 $0x200, s9;
	[tilespmem:s5+$0x13358] =	vst v55  }
0x3b: {  	v53 =	vld [tilespmem:s26+$0x17338];
	[tilespmem:s5+$0x13368] =	vst v52  }
0x3c: {  	[tilespmem:s26+$0x13308] =	vst v51;
	v61 =	vld [tilespmem:s26+$0x17308]  }
0x3d: {  	[tilespmem:s26+$0x13318] =	vst v50;
	v62 =	vld [tilespmem:s26+$0x17318]  }
0x3e: {  	[tilespmem:s26+$0x13328] =	vst v49;
	v63 =	vld [tilespmem:s26+$0x17328]  }
0x3f: {  	[tilespmem:s26+$0x13338] =	vst v48  }
0x40: {  	s4 =	smul.u32 $0xA200, s4;
	[tilespmem:s26+$0x13378] =	vst v53  }
0x41: {  	[tilespmem:s26+$0x13348] =	vst v61  }
0x42: {  	s4 =	sshra.s32 s4, $0x2;
	[tilespmem:s26+$0x13358] =	vst v62  }
.Ltmp6:
0x43: {  	s4 =	sadd.s32 s4, s2;
	[tilespmem:s26+$0x13368] =	vst v63;
	(pc) =	sbr.rel .LBB2_6-.Ltmp6, $4  }
0x44: {  	[spmem:s4] =	stream.linear.scatter [tilespmem:s13], [sflag:$0x5], $0x2880, $0x38;
	[tilespmem:$0x1F308] =	vst v63  }
0x45: {  	_ =	swait.ge [sflag:s12], $0x2880  }
0x46: {  	[sflag:s12] =	ssyncset.done $0x0  }
0x47: {  	[sflag:s12] =	ssyncadd.s32 $0xFFFFD780  }
.LBB2_7:
.Ltmp7:
0x48: {  	(pc) =	sbr.rel .LBB2_8-.Ltmp7, $3  }
0x49: {  	_ =	sdelay $0x1  }
0x4a: {  	[bflag:$0x0] =	sbarrier.arrive $0xFFFF  }
0x4b: {  	s26 =	simm.s32 $0x0;
	s29 =	simm.s32 $0x0;
	s28 =	rddreg [dreg:$0x6]  }
.LBB2_14:
0x4c: {  	_ =	swait.ge [sflag:s21], $0x4000  }
0x4d: {  	[sflag:s21] =	ssyncset.done $0x0  }
0x4e: {  	[sflag:s21] =	ssyncadd.s32 $0xFFFFC000  }
0x4f: {  	[tilespmem:s13], [sflag:$0x1] =	stream.indirect.gather [spmem:s2], $0x80, s22, s15, $0xb8;
	[tilespmem:$0x1F308] =	vst v63  }
0x50: {  	s1 =	sshrl.u32 s30, $0x3;
	_ =	swait.ge [sflag:s16], $0x4000  }
0x51: {  	s1 =	sadd.s32 s0, s1;
	[sflag:s16] =	ssyncset.done $0x0  }
0x52: {  	s1 =	sadd.s32 $0x3180, s1;
	[sflag:s16] =	ssyncadd.s32 $0xFFFFC000  }
0x53: {  	[hbm4b:s1+s17] =	stream.strided.scatter [tilespmem:s13], [sflag:$0x2], $0x4000, s18, s17, $0x38;
	[tilespmem:$0x1F308] =	vst v63  }
0x54: {  	_ =	swait.ge [sflag:s23], $0x4000  }
0x55: {  	[sflag:s23] =	ssyncset.done $0x0  }
0x56: {  	s29 =	sadd.s32 $0x1, s29;
	[sflag:s23] =	ssyncadd.s32 $0xFFFFC000  }
0x57: {  	p0 =	sne.s32 s29, $0x4;
	_ =	swait.ge [sflag:s24], $0x4000  }
.Ltmp8:
0x58: {  	[sflag:s24] =	ssyncset.done $0x0;
	(pc) =	sbr.rel @!p0 .LBB2_15-.Ltmp8, $4  }
0x59: {  	[sflag:s24] =	ssyncadd.s32 $0xFFFFC000  }
0x5a: {  	_ =	swait.ge [sflag:s21], $0x4000  }
0x5b: {  	[sflag:s21] =	ssyncset.done $0x0  }
0x5c: {  	s28 =	sadd.s32 $0x32000, s28;
	[sflag:s21] =	ssyncadd.s32 $0xFFFFC000  }
.LBB2_8:
0x5d: {  	s1 =	smul.u32 $0xC8, s29;
	_ =	sdelay $0x1  }
0x5e: {  	s1 =	sadd.s32 s7, s1  }
0x5f: {  	s1 =	sshll.u32 s1, $0x4  }
0x60: {  	s1 =	sadd.s32 s6, s1  }
0x61: {  	[tilespmem:s14], [sflag:$0x5] =	stream.linear.gather [hbm4b:s1+s26], $0x6400, $0x38;
	[tilespmem:$0x1F308] =	vst v63  }
0x62: {  	_ =	swait.ge [sflag:s12], $0x6400  }
0x63: {  	[sflag:s12] =	ssyncset.done $0x0  }
0x64: {  	[sflag:s12] =	ssyncadd.s32 $0xFFFF9C00  }
0x65: {  	v48 =	vld.idx.msk [tilespmem:v0+s14+$0x0], $0xffff;
	_ =	sdelay $0x1  }
0x66: {  	v49 =	vld.idx.msk [tilespmem:v1+s14+$0x0], $0xffff;
	_ =	sdelay $0x2  }
0x67: {  	v48 =	vmul.u32 $0x51, v48;
	_ =	sdelay $0x1  }
0x68: {  	v48 =	vadd.s32 v49, v48  }
0x69: {  	[tilespmem:$0x13108] =	vst v48  }
0x6a: {  	v48 =	vld.idx.msk [tilespmem:v2+s14+$0x0], $0xffff;
	_ =	sdelay $0x1  }
0x6b: {  	v53 =	vld.idx.msk [tilespmem:v3+s14+$0x0], $0xffff;
	_ =	sdelay $0x2  }
0x6c: {  	v48 =	vmul.u32 $0x51, v48;
	_ =	sdelay $0x1  }
0x6d: {  	v48 =	vadd.s32 v53, v48  }
0x6e: {  	[tilespmem:$0x13118] =	vst v48  }
0x6f: {  	v48 =	vld.idx.msk [tilespmem:v4+s14+$0x0], $0xffff;
	_ =	sdelay $0x1  }
0x70: {  	v54 =	vld.idx.msk [tilespmem:v5+s14+$0x0], $0xffff;
	_ =	sdelay $0x2  }
0x71: {  	v48 =	vmul.u32 $0x51, v48;
	_ =	sdelay $0x1  }
0x72: {  	v48 =	vadd.s32 v54, v48  }
0x73: {  	[tilespmem:$0x13128] =	vst v48  }
0x74: {  	v48 =	vld.idx.msk [tilespmem:v6+s14+$0x0], $0xffff;
	_ =	sdelay $0x1  }
0x75: {  	v55 =	vld.idx.msk [tilespmem:v7+s14+$0x0], $0xffff;
	_ =	sdelay $0x2  }
0x76: {  	v48 =	vmul.u32 $0x51, v48;
	_ =	sdelay $0x1  }
0x77: {  	v48 =	vadd.s32 v55, v48  }
0x78: {  	[tilespmem:$0x13138] =	vst v48  }
0x79: {  	v48 =	vld.idx.msk [tilespmem:v8+s14+$0x0], $0xffff;
	_ =	sdelay $0x1  }
0x7a: {  	v56 =	vld.idx.msk [tilespmem:v9+s14+$0x0], $0xffff;
	_ =	sdelay $0x2  }
0x7b: {  	v48 =	vmul.u32 $0x51, v48;
	_ =	sdelay $0x1  }
0x7c: {  	v48 =	vadd.s32 v56, v48  }
0x7d: {  	[tilespmem:$0x13148] =	vst v48  }
0x7e: {  	v48 =	vld.idx.msk [tilespmem:v10+s14+$0x0], $0xffff;
	_ =	sdelay $0x1  }
0x7f: {  	v57 =	vld.idx.msk [tilespmem:v11+s14+$0x0], $0xffff;
	_ =	sdelay $0x2  }
0x80: {  	v48 =	vmul.u32 $0x51, v48;
	_ =	sdelay $0x1  }
0x81: {  	v48 =	vadd.s32 v57, v48  }
0x82: {  	[tilespmem:$0x13158] =	vst v48  }
0x83: {  	v48 =	vld.idx.msk [tilespmem:v12+s14+$0x0], $0xffff;
	_ =	sdelay $0x1  }
0x84: {  	v58 =	vld.idx.msk [tilespmem:v13+s14+$0x0], $0xffff;
	_ =	sdelay $0x2  }
0x85: {  	v48 =	vmul.u32 $0x51, v48;
	_ =	sdelay $0x1  }
0x86: {  	v48 =	vadd.s32 v58, v48  }
0x87: {  	[tilespmem:$0x13168] =	vst v48  }
0x88: {  	v48 =	vld.idx.msk [tilespmem:v14+s14+$0x0], $0xffff;
	_ =	sdelay $0x1  }
0x89: {  	v59 =	vld.idx.msk [tilespmem:v15+s14+$0x0], $0xffff;
	_ =	sdelay $0x2  }
0x8a: {  	v48 =	vmul.u32 $0x51, v48;
	_ =	sdelay $0x1  }
0x8b: {  	v48 =	vadd.s32 v59, v48  }
0x8c: {  	[tilespmem:$0x13178] =	vst v48  }
0x8d: {  	v48 =	vld.idx.msk [tilespmem:v16+s14+$0x0], $0xffff;
	_ =	sdelay $0x1  }
0x8e: {  	v60 =	vld.idx.msk [tilespmem:v17+s14+$0x0], $0xffff;
	_ =	sdelay $0x2  }
0x8f: {  	v48 =	vmul.u32 $0x51, v48;
	_ =	sdelay $0x1  }
0x90: {  	v48 =	vadd.s32 v60, v48  }
0x91: {  	[tilespmem:$0x13188] =	vst v48  }
0x92: {  	v48 =	vld.idx.msk [tilespmem:v18+s14+$0x0], $0xffff;
	_ =	sdelay $0x1  }
0x93: {  	v61 =	vld.idx.msk [tilespmem:v19+s14+$0x0], $0xffff;
	_ =	sdelay $0x2  }
0x94: {  	v48 =	vmul.u32 $0x51, v48;
	_ =	sdelay $0x1  }
0x95: {  	v48 =	vadd.s32 v61, v48  }
0x96: {  	[tilespmem:$0x13198] =	vst v48  }
0x97: {  	v48 =	vld.idx.msk [tilespmem:v20+s14+$0x0], $0xffff;
	_ =	sdelay $0x1  }
0x98: {  	v62 =	vld.idx.msk [tilespmem:v21+s14+$0x0], $0xffff;
	_ =	sdelay $0x2  }
0x99: {  	v48 =	vmul.u32 $0x51, v48;
	_ =	sdelay $0x1  }
0x9a: {  	v48 =	vadd.s32 v62, v48  }
0x9b: {  	[tilespmem:$0x131A8] =	vst v48  }
0x9c: {  	v48 =	vld.idx.msk [tilespmem:v22+s14+$0x0], $0xffff;
	_ =	sdelay $0x1  }
0x9d: {  	v63 =	vld.idx.msk [tilespmem:v23+s14+$0x0], $0xffff;
	_ =	sdelay $0x2  }
0x9e: {  	v48 =	vmul.u32 $0x51, v48;
	_ =	sdelay $0x1  }
0x9f: {  	v48 =	vadd.s32 v63, v48  }
0xa0: {  	[tilespmem:$0x131B8] =	vst v48  }
0xa1: {  	v48 =	vld.idx.msk [tilespmem:v24+s14+$0x0], $0xffff;
	_ =	sdelay $0x1  }
0xa2: {  	v52 =	vld.idx.msk [tilespmem:v25+s14+$0x0], $0xffff;
	_ =	sdelay $0x2  }
0xa3: {  	v48 =	vmul.u32 $0x51, v48;
	_ =	sdelay $0x1  }
0xa4: {  	v48 =	vadd.s32 v52, v48  }
0xa5: {  	[tilespmem:$0x131C8] =	vst v48  }
0xa6: {  	v48 =	vld.idx.msk [tilespmem:v26+s14+$0x0], $0xffff;
	_ =	sdelay $0x1  }
0xa7: {  	v53 =	vld.idx.msk [tilespmem:v27+s14+$0x0], $0xffff;
	_ =	sdelay $0x2  }
0xa8: {  	v48 =	vmul.u32 $0x51, v48;
	_ =	sdelay $0x1  }
0xa9: {  	v48 =	vadd.s32 v53, v48  }
0xaa: {  	[tilespmem:$0x131D8] =	vst v48  }
0xab: {  	v48 =	vld.idx.msk [tilespmem:v28+s14+$0x0], $0xffff;
	_ =	sdelay $0x1  }
0xac: {  	v54 =	vld.idx.msk [tilespmem:v29+s14+$0x0], $0xffff;
	_ =	sdelay $0x2  }
0xad: {  	v48 =	vmul.u32 $0x51, v48;
	_ =	sdelay $0x1  }
0xae: {  	v48 =	vadd.s32 v54, v48  }
0xaf: {  	[tilespmem:$0x131E8] =	vst v48  }
0xb0: {  	v48 =	vld.idx.msk [tilespmem:v30+s14+$0x0], $0xffff;
	_ =	sdelay $0x1  }
0xb1: {  	v55 =	vld.idx.msk [tilespmem:v31+s14+$0x0], $0xffff;
	_ =	sdelay $0x2  }
0xb2: {  	v48 =	vmul.u32 $0x51, v48;
	_ =	sdelay $0x1  }
0xb3: {  	v48 =	vadd.s32 v55, v48  }
0xb4: {  	[tilespmem:$0x131F8] =	vst v48  }
0xb5: {  	v48 =	vld.idx.msk [tilespmem:v32+s14+$0x0], $0xffff;
	_ =	sdelay $0x1  }
0xb6: {  	v56 =	vld.idx.msk [tilespmem:v33+s14+$0x0], $0xffff;
	_ =	sdelay $0x2  }
0xb7: {  	v48 =	vmul.u32 $0x51, v48;
	_ =	sdelay $0x1  }
0xb8: {  	v48 =	vadd.s32 v56, v48  }
0xb9: {  	[tilespmem:$0x13208] =	vst v48  }
0xba: {  	v48 =	vld.idx.msk [tilespmem:v34+s14+$0x0], $0xffff;
	_ =	sdelay $0x1  }
0xbb: {  	v57 =	vld.idx.msk [tilespmem:v35+s14+$0x0], $0xffff;
	_ =	sdelay $0x2  }
0xbc: {  	v48 =	vmul.u32 $0x51, v48;
	_ =	sdelay $0x1  }
0xbd: {  	v48 =	vadd.s32 v57, v48  }
0xbe: {  	[tilespmem:$0x13218] =	vst v48  }
0xbf: {  	v48 =	vld.idx.msk [tilespmem:v36+s14+$0x0], $0xffff;
	_ =	sdelay $0x1  }
0xc0: {  	v58 =	vld.idx.msk [tilespmem:v37+s14+$0x0], $0xffff;
	_ =	sdelay $0x2  }
0xc1: {  	v48 =	vmul.u32 $0x51, v48;
	_ =	sdelay $0x1  }
0xc2: {  	v48 =	vadd.s32 v58, v48  }
0xc3: {  	[tilespmem:$0x13228] =	vst v48  }
0xc4: {  	v48 =	vld.idx.msk [tilespmem:v38+s14+$0x0], $0xffff;
	_ =	sdelay $0x1  }
0xc5: {  	v59 =	vld.idx.msk [tilespmem:v39+s14+$0x0], $0xffff;
	_ =	sdelay $0x2  }
0xc6: {  	v48 =	vmul.u32 $0x51, v48;
	_ =	sdelay $0x1  }
0xc7: {  	v48 =	vadd.s32 v59, v48  }
0xc8: {  	[tilespmem:$0x13238] =	vst v48  }
0xc9: {  	v48 =	vld.idx.msk [tilespmem:v40+s14+$0x0], $0xffff;
	_ =	sdelay $0x1  }
0xca: {  	v60 =	vld.idx.msk [tilespmem:v41+s14+$0x0], $0xffff;
	_ =	sdelay $0x2  }
0xcb: {  	v48 =	vmul.u32 $0x51, v48;
	_ =	sdelay $0x1  }
0xcc: {  	v48 =	vadd.s32 v60, v48  }
0xcd: {  	[tilespmem:$0x13248] =	vst v48  }
0xce: {  	v48 =	vld.idx.msk [tilespmem:v42+s14+$0x0], $0xffff;
	_ =	sdelay $0x1  }
0xcf: {  	v61 =	vld.idx.msk [tilespmem:v43+s14+$0x0], $0xffff;
	_ =	sdelay $0x2  }
0xd0: {  	v48 =	vmul.u32 $0x51, v48;
	_ =	sdelay $0x1  }
0xd1: {  	v48 =	vadd.s32 v61, v48  }
0xd2: {  	[tilespmem:$0x13258] =	vst v48  }
0xd3: {  	v48 =	vld.idx.msk [tilespmem:v44+s14+$0x0], $0xffff;
	_ =	sdelay $0x1  }
0xd4: {  	v62 =	vld.idx.msk [tilespmem:v45+s14+$0x0], $0xffff;
	_ =	sdelay $0x2  }
0xd5: {  	v48 =	vmul.u32 $0x51, v48;
	_ =	sdelay $0x1  }
0xd6: {  	v48 =	vadd.s32 v62, v48  }
0xd7: {  	[tilespmem:$0x13268] =	vst v48  }
0xd8: {  	v48 =	vld.idx.msk [tilespmem:v46+s14+$0x0], $0xffff;
	_ =	sdelay $0x1  }
0xd9: {  	v63 =	vld.idx.msk [tilespmem:v47+s14+$0x0], $0xffff;
	_ =	sdelay $0x1  }
.Ltmp9:
0xda: {  	_ = 	snop;
	(pc) =	sbr.rel .LBB2_9-.Ltmp9, $4  }
0xdb: {  	s10 =	sshll.u32 s29, $0x7;
	v48 =	vmul.u32 $0x51, v48  }
0xdc: {  	s1 =	sadd.s32 s8, s10  }
0xdd: {  	s1 =	sshrl.u32 s1, $0x3;
	v48 =	vadd.s32 v63, v48  }
0xde: {  	s31 =	simm.s32 $0xA;
	s30 =	smul.u32 $0x19000, s1;
	s1 =	simm.s32 $0x0;
	[tilespmem:$0x13278] =	vst v48  }
.LBB2_10:
0xdf: {  	[tilespmem:s11], [sflag:$0x1] =	stream.indirect.gather [spmem:s2], $0x80, s19, s15, $0xb8;
	[tilespmem:$0x1F308] =	vst v63  }
.LBB2_12:
0xe0: {  	s10 =	sadd.s32 $0xFFFFFFFE, s31  }
0xe1: {  	v48 =	vadd.s32 s10, v0;
	_ =	sdelay $0x1  }
0xe2: {  	v49 =	vadd.s32 s10, v1;
	_ =	sdelay $0x2  }
0xe3: {  	v48 =	vld.idx.msk [tilespmem:v48+s14+$0x0], $0xffff;
	_ =	sdelay $0x1  }
0xe4: {  	v49 =	vld.idx.msk [tilespmem:v49+s14+$0x0], $0xffff;
	_ =	sdelay $0x1  }
0xe5: {  	v50 =	vadd.s32 s10, v2  }
0xe6: {  	v48 =	vmul.u32 $0x51, v48  }
0xe7: {  	v51 =	vadd.s32 s10, v3  }
0xe8: {  	v48 =	vadd.s32 v49, v48  }
0xe9: {  	[tilespmem:s9+$0x13108] =	vst v48  }
0xea: {  	v48 =	vld.idx.msk [tilespmem:v50+s14+$0x0], $0xffff;
	_ =	sdelay $0x1  }
0xeb: {  	v55 =	vld.idx.msk [tilespmem:v51+s14+$0x0], $0xffff;
	_ =	sdelay $0x1  }
0xec: {  	v56 =	vadd.s32 s10, v4  }
0xed: {  	v48 =	vmul.u32 $0x51, v48  }
0xee: {  	v57 =	vadd.s32 s10, v5  }
0xef: {  	v48 =	vadd.s32 v55, v48  }
0xf0: {  	[tilespmem:s9+$0x13118] =	vst v48  }
0xf1: {  	v48 =	vld.idx.msk [tilespmem:v56+s14+$0x0], $0xffff;
	_ =	sdelay $0x1  }
0xf2: {  	v58 =	vld.idx.msk [tilespmem:v57+s14+$0x0], $0xffff;
	_ =	sdelay $0x1  }
0xf3: {  	v59 =	vadd.s32 s10, v6  }
0xf4: {  	v48 =	vmul.u32 $0x51, v48  }
0xf5: {  	v60 =	vadd.s32 s10, v7  }
0xf6: {  	v48 =	vadd.s32 v58, v48  }
0xf7: {  	[tilespmem:s9+$0x13128] =	vst v48  }
0xf8: {  	v48 =	vld.idx.msk [tilespmem:v59+s14+$0x0], $0xffff;
	_ =	sdelay $0x1  }
0xf9: {  	v61 =	vld.idx.msk [tilespmem:v60+s14+$0x0], $0xffff;
	_ =	sdelay $0x1  }
0xfa: {  	v62 =	vadd.s32 s10, v8  }
0xfb: {  	v48 =	vmul.u32 $0x51, v48  }
0xfc: {  	v63 =	vadd.s32 s10, v9  }
0xfd: {  	v48 =	vadd.s32 v61, v48  }
0xfe: {  	[tilespmem:s9+$0x13138] =	vst v48  }
0xff: {  	v48 =	vld.idx.msk [tilespmem:v62+s14+$0x0], $0xffff;
	_ =	sdelay $0x1  }
0x100: {  	v54 =	vld.idx.msk [tilespmem:v63+s14+$0x0], $0xffff;
	_ =	sdelay $0x1  }
0x101: {  	v55 =	vadd.s32 s10, v10  }
0x102: {  	v48 =	vmul.u32 $0x51, v48  }
0x103: {  	v56 =	vadd.s32 s10, v11  }
0x104: {  	v48 =	vadd.s32 v54, v48  }
0x105: {  	[tilespmem:s9+$0x13148] =	vst v48  }
0x106: {  	v48 =	vld.idx.msk [tilespmem:v55+s14+$0x0], $0xffff;
	_ =	sdelay $0x1  }
0x107: {  	v57 =	vld.idx.msk [tilespmem:v56+s14+$0x0], $0xffff;
	_ =	sdelay $0x1  }
0x108: {  	v58 =	vadd.s32 s10, v12  }
0x109: {  	v48 =	vmul.u32 $0x51, v48  }
0x10a: {  	v59 =	vadd.s32 s10, v13  }
0x10b: {  	v48 =	vadd.s32 v57, v48  }
0x10c: {  	[tilespmem:s9+$0x13158] =	vst v48  }
0x10d: {  	v48 =	vld.idx.msk [tilespmem:v58+s14+$0x0], $0xffff;
	_ =	sdelay $0x1  }
0x10e: {  	v60 =	vld.idx.msk [tilespmem:v59+s14+$0x0], $0xffff;
	_ =	sdelay $0x1  }
0x10f: {  	v61 =	vadd.s32 s10, v14  }
0x110: {  	v48 =	vmul.u32 $0x51, v48  }
0x111: {  	v62 =	vadd.s32 s10, v15  }
0x112: {  	v48 =	vadd.s32 v60, v48  }
0x113: {  	[tilespmem:s9+$0x13168] =	vst v48  }
0x114: {  	v48 =	vld.idx.msk [tilespmem:v61+s14+$0x0], $0xffff;
	_ =	sdelay $0x1  }
0x115: {  	v63 =	vld.idx.msk [tilespmem:v62+s14+$0x0], $0xffff;
	_ =	sdelay $0x2  }
0x116: {  	v48 =	vmul.u32 $0x51, v48;
	_ =	sdelay $0x1  }
0x117: {  	v48 =	vadd.s32 v63, v48  }
0x118: {  	p1 =	por $0x0, $0x0;
	[tilespmem:s9+$0x13178] =	vst v48  }
.LBB2_13:
0x119: {  	_ =	swait.ge [sflag:s16], $0x4000  }
0x11a: {  	[sflag:s16] =	ssyncset.done $0x0  }
0x11b: {  	s9 =	sadd.s32 $0x80, s5;
	[sflag:s16] =	ssyncadd.s32 $0xFFFFC000  }
0x11c: {  	[hbm4b:s9+s17] =	stream.strided.scatter [tilespmem:s11], [sflag:$0x3], $0x4000, s18, s17, $0x38;
	[tilespmem:$0x1F308] =	vst v63  }
0x11d: {  	v48 =	vadd.s32 @!p1 s31, v0;
	s9 =	simm.s32 @!p0 $0x4  }
0x11e: {  	s10 =	sadd.s32 $0x100, s1;
	_ =	swait.ge @!p0 [sflag:s9], $0x4000  }
0x11f: {  	v49 =	vadd.s32 @!p1 s31, v1;
	s10 =	sand.u32 $0x180, s10;
	[sflag:s9] =	ssyncset.done @!p0 $0x0  }
0x120: {  	s10 =	sadd.s32 $0x13108, s10;
	[sflag:s9] =	ssyncadd.s32 @!p0 $0xFFFFC000  }
0x121: {  	[tilespmem:s20], [sflag:$0x1] =	stream.indirect.gather [spmem:s2], $0x80, s10, s15, $0xb8;
	[tilespmem:$0x1F308] =	vst v63  }
0x122: {  	v48 =	vld.idx.msk @!p1 [tilespmem:v48+s14+$0x0], $0xffff;
	_ =	sdelay $0x1  }
0x123: {  	v49 =	vld.idx.msk @!p1 [tilespmem:v49+s14+$0x0], $0xffff;
	_ =	sdelay $0x1  }
0x124: {  	v50 =	vadd.s32 @!p1 s31, v2  }
0x125: {  	v48 =	vmul.u32 @!p1 $0x51, v48  }
0x126: {  	s1 =	sadd.s32 @!p1 $0x280, s1;
	v51 =	vadd.s32 @!p1 s31, v3  }
0x127: {  	s1 =	sand.u32 @!p1 $0x180, s1;
	v48 =	vadd.s32 @!p1 v49, v48  }
0x128: {  	[tilespmem:s1+$0x13108] =	vst @!p1 v48  }
0x129: {  	v48 =	vld.idx.msk @!p1 [tilespmem:v50+s14+$0x0], $0xffff;
	_ =	sdelay $0x1  }
0x12a: {  	v49 =	vld.idx.msk @!p1 [tilespmem:v51+s14+$0x0], $0xffff;
	_ =	sdelay $0x1  }
0x12b: {  	v50 =	vadd.s32 @!p1 s31, v4  }
0x12c: {  	v48 =	vmul.u32 @!p1 $0x51, v48  }
0x12d: {  	v51 =	vadd.s32 @!p1 s31, v5  }
0x12e: {  	v48 =	vadd.s32 @!p1 v49, v48  }
0x12f: {  	[tilespmem:s1+$0x13118] =	vst @!p1 v48  }
0x130: {  	v48 =	vld.idx.msk @!p1 [tilespmem:v50+s14+$0x0], $0xffff;
	_ =	sdelay $0x1  }
0x131: {  	v49 =	vld.idx.msk @!p1 [tilespmem:v51+s14+$0x0], $0xffff;
	_ =	sdelay $0x1  }
0x132: {  	v50 =	vadd.s32 @!p1 s31, v6  }
0x133: {  	v48 =	vmul.u32 @!p1 $0x51, v48  }
0x134: {  	v51 =	vadd.s32 @!p1 s31, v7  }
0x135: {  	v48 =	vadd.s32 @!p1 v49, v48  }
0x136: {  	[tilespmem:s1+$0x13128] =	vst @!p1 v48  }
0x137: {  	v48 =	vld.idx.msk @!p1 [tilespmem:v50+s14+$0x0], $0xffff;
	_ =	sdelay $0x1  }
0x138: {  	v49 =	vld.idx.msk @!p1 [tilespmem:v51+s14+$0x0], $0xffff;
	_ =	sdelay $0x1  }
0x139: {  	v50 =	vadd.s32 @!p1 s31, v8  }
0x13a: {  	v48 =	vmul.u32 @!p1 $0x51, v48  }
0x13b: {  	v51 =	vadd.s32 @!p1 s31, v9  }
0x13c: {  	v48 =	vadd.s32 @!p1 v49, v48  }
0x13d: {  	[tilespmem:s1+$0x13138] =	vst @!p1 v48  }
0x13e: {  	v48 =	vld.idx.msk @!p1 [tilespmem:v50+s14+$0x0], $0xffff;
	_ =	sdelay $0x1  }
0x13f: {  	v49 =	vld.idx.msk @!p1 [tilespmem:v51+s14+$0x0], $0xffff;
	_ =	sdelay $0x1  }
0x140: {  	v50 =	vadd.s32 @!p1 s31, v10  }
0x141: {  	v48 =	vmul.u32 @!p1 $0x51, v48  }
0x142: {  	v51 =	vadd.s32 @!p1 s31, v11  }
0x143: {  	v48 =	vadd.s32 @!p1 v49, v48  }
0x144: {  	[tilespmem:s1+$0x13148] =	vst @!p1 v48  }
0x145: {  	v48 =	vld.idx.msk @!p1 [tilespmem:v50+s14+$0x0], $0xffff;
	_ =	sdelay $0x1  }
0x146: {  	v49 =	vld.idx.msk @!p1 [tilespmem:v51+s14+$0x0], $0xffff;
	_ =	sdelay $0x1  }
0x147: {  	v50 =	vadd.s32 @!p1 s31, v12  }
0x148: {  	v48 =	vmul.u32 @!p1 $0x51, v48  }
0x149: {  	v51 =	vadd.s32 @!p1 s31, v13  }
0x14a: {  	v48 =	vadd.s32 @!p1 v49, v48  }
0x14b: {  	[tilespmem:s1+$0x13158] =	vst @!p1 v48  }
0x14c: {  	v48 =	vld.idx.msk @!p1 [tilespmem:v50+s14+$0x0], $0xffff;
	_ =	sdelay $0x1  }
0x14d: {  	v49 =	vld.idx.msk @!p1 [tilespmem:v51+s14+$0x0], $0xffff;
	_ =	sdelay $0x1  }
0x14e: {  	v50 =	vadd.s32 @!p1 s31, v14  }
0x14f: {  	v48 =	vmul.u32 @!p1 $0x51, v48  }
0x150: {  	v51 =	vadd.s32 @!p1 s31, v15  }
0x151: {  	v48 =	vadd.s32 @!p1 v49, v48  }
0x152: {  	[tilespmem:s1+$0x13168] =	vst @!p1 v48  }
0x153: {  	v48 =	vld.idx.msk @!p1 [tilespmem:v50+s14+$0x0], $0xffff;
	_ =	sdelay $0x1  }
0x154: {  	v49 =	vld.idx.msk @!p1 [tilespmem:v51+s14+$0x0], $0xffff;
	_ =	sdelay $0x2  }
0x155: {  	v48 =	vmul.u32 @!p1 $0x51, v48;
	_ =	sdelay $0x1  }
0x156: {  	p0 =	sne.s32 s4, $0x3180;
	v48 =	vadd.s32 @!p1 v49, v48  }
.Ltmp10:
0x157: {  	[tilespmem:s1+$0x13178] =	vst @!p1 v48;
	(pc) =	sbr.rel @!p0 .LBB2_14-.Ltmp10, $4  }
0x158: {  	_ =	swait.ge [sflag:s16], $0x4000  }
0x159: {  	s10 =	sadd.s32 $0x100, s5;
	[sflag:s16] =	ssyncset.done $0x0  }
0x15a: {  	s31 =	sadd.s32 $0x6, s31;
	s1 =	smov.u32 s4;
	[sflag:s16] =	ssyncadd.s32 $0xFFFFC000  }
0x15b: {  	[hbm4b:s10+s17] =	stream.strided.scatter [tilespmem:s20], [sflag:$0x4], $0x4000, s18, s17, $0x38;
	[tilespmem:$0x1F308] =	vst v63  }
.LBB2_9:
0x15c: {  	p0 =	seq.s32 s1, $0x0;
	s5 =	sadd.s32 $0xFFFFFFFC, s31  }
0x15d: {  	s4 =	simm.s32 @!p0 $0x2;
	v48 =	vadd.s32 s5, v0  }
0x15e: {  	_ =	swait.ge @!p0 [sflag:s4], $0x4000  }
0x15f: {  	s9 =	sand.u32 $0x180, s1;
	v49 =	vadd.s32 s5, v1;
	[sflag:s4] =	ssyncset.done @!p0 $0x0  }
0x160: {  	s10 =	sadd.s32 $0x13108, s9;
	[sflag:s4] =	ssyncadd.s32 @!p0 $0xFFFFC000  }
0x161: {  	[tilespmem:s13], [sflag:$0x1] =	stream.indirect.gather [spmem:s2], $0x80, s10, s15, $0xb8;
	[tilespmem:$0x1F308] =	vst v63  }
0x162: {  	v48 =	vld.idx.msk [tilespmem:v48+s14+$0x0], $0xffff;
	_ =	sdelay $0x1  }
0x163: {  	v49 =	vld.idx.msk [tilespmem:v49+s14+$0x0], $0xffff;
	_ =	sdelay $0x1  }
0x164: {  	v50 =	vadd.s32 s5, v2  }
0x165: {  	v48 =	vmul.u32 $0x51, v48  }
0x166: {  	v51 =	vadd.s32 s5, v3;
	s4 =	sadd.s32 $0x180, s1  }
0x167: {  	s10 =	sand.u32 $0x180, s4;
	v48 =	vadd.s32 v49, v48  }
0x168: {  	[tilespmem:s10+$0x13108] =	vst v48  }
0x169: {  	v48 =	vld.idx.msk [tilespmem:v50+s14+$0x0], $0xffff;
	_ =	sdelay $0x1  }
0x16a: {  	v55 =	vld.idx.msk [tilespmem:v51+s14+$0x0], $0xffff;
	_ =	sdelay $0x1  }
0x16b: {  	v56 =	vadd.s32 s5, v4  }
0x16c: {  	v48 =	vmul.u32 $0x51, v48  }
0x16d: {  	v57 =	vadd.s32 s5, v5  }
0x16e: {  	v48 =	vadd.s32 v55, v48  }
0x16f: {  	[tilespmem:s10+$0x13118] =	vst v48  }
0x170: {  	v48 =	vld.idx.msk [tilespmem:v56+s14+$0x0], $0xffff;
	_ =	sdelay $0x1  }
0x171: {  	v58 =	vld.idx.msk [tilespmem:v57+s14+$0x0], $0xffff;
	_ =	sdelay $0x1  }
0x172: {  	v59 =	vadd.s32 s5, v6  }
0x173: {  	v48 =	vmul.u32 $0x51, v48  }
0x174: {  	v60 =	vadd.s32 s5, v7  }
0x175: {  	v48 =	vadd.s32 v58, v48  }
0x176: {  	[tilespmem:s10+$0x13128] =	vst v48  }
0x177: {  	v48 =	vld.idx.msk [tilespmem:v59+s14+$0x0], $0xffff;
	_ =	sdelay $0x1  }
0x178: {  	v61 =	vld.idx.msk [tilespmem:v60+s14+$0x0], $0xffff;
	_ =	sdelay $0x1  }
0x179: {  	v62 =	vadd.s32 s5, v8  }
0x17a: {  	v48 =	vmul.u32 $0x51, v48  }
0x17b: {  	v63 =	vadd.s32 s5, v9  }
0x17c: {  	v48 =	vadd.s32 v61, v48  }
0x17d: {  	[tilespmem:s10+$0x13138] =	vst v48  }
0x17e: {  	v48 =	vld.idx.msk [tilespmem:v62+s14+$0x0], $0xffff;
	_ =	sdelay $0x1  }
0x17f: {  	v54 =	vld.idx.msk [tilespmem:v63+s14+$0x0], $0xffff;
	_ =	sdelay $0x1  }
0x180: {  	v55 =	vadd.s32 s5, v10  }
0x181: {  	v48 =	vmul.u32 $0x51, v48  }
0x182: {  	v56 =	vadd.s32 s5, v11  }
0x183: {  	v48 =	vadd.s32 v54, v48  }
0x184: {  	[tilespmem:s10+$0x13148] =	vst v48  }
0x185: {  	v48 =	vld.idx.msk [tilespmem:v55+s14+$0x0], $0xffff;
	_ =	sdelay $0x1  }
0x186: {  	v57 =	vld.idx.msk [tilespmem:v56+s14+$0x0], $0xffff;
	_ =	sdelay $0x1  }
0x187: {  	v58 =	vadd.s32 s5, v12  }
0x188: {  	v48 =	vmul.u32 $0x51, v48  }
0x189: {  	v59 =	vadd.s32 s5, v13  }
0x18a: {  	v48 =	vadd.s32 v57, v48  }
0x18b: {  	[tilespmem:s10+$0x13158] =	vst v48  }
0x18c: {  	v48 =	vld.idx.msk [tilespmem:v58+s14+$0x0], $0xffff;
	_ =	sdelay $0x1  }
0x18d: {  	v60 =	vld.idx.msk [tilespmem:v59+s14+$0x0], $0xffff;
	_ =	sdelay $0x1  }
0x18e: {  	v61 =	vadd.s32 s5, v14  }
0x18f: {  	v48 =	vmul.u32 $0x51, v48  }
0x190: {  	v62 =	vadd.s32 s5, v15  }
0x191: {  	v48 =	vadd.s32 v60, v48  }
0x192: {  	[tilespmem:s10+$0x13168] =	vst v48  }
0x193: {  	v48 =	vld.idx.msk [tilespmem:v61+s14+$0x0], $0xffff;
	_ =	sdelay $0x1  }
0x194: {  	v63 =	vld.idx.msk [tilespmem:v62+s14+$0x0], $0xffff;
	_ =	sdelay $0x2  }
0x195: {  	v48 =	vmul.u32 $0x51, v48;
	_ =	sdelay $0x1  }
0x196: {  	p1 =	sne.s32 s1, $0x0;
	v48 =	vadd.s32 v63, v48  }
.Ltmp11:
0x197: {  	[tilespmem:s10+$0x13178] =	vst v48;
	(pc) =	sbr.rel @!p1 .LBB2_10-.Ltmp11, $4  }
0x198: {  	_ =	swait.ge [sflag:s16], $0x4000  }
0x199: {  	[sflag:s16] =	ssyncset.done $0x0  }
0x19a: {  	s5 =	sadd.s32 s1, s28;
	[sflag:s16] =	ssyncadd.s32 $0xFFFFC000  }
0x19b: {  	[hbm4b:s5+s17] =	stream.strided.scatter [tilespmem:s13], [sflag:$0x2], $0x4000, s18, s17, $0x38;
	[tilespmem:$0x1F308] =	vst v63  }
0x19c: {  	p2 =	seq.s32 s1, $0x3000  }
.Ltmp12:
0x19d: {  	_ = 	snop;
	(pc) =	sbr.rel @p2 .LBB2_13-.Ltmp12, $4  }
.Ltmp13:
0x19e: {  	_ =	swait.ge [sflag:s23], $0x4000;
	s10 =	sadd.s32 $0x80, s1;
	(pc) =	sbr.rel @!p2 .LBB2_12-.Ltmp13, $4  }
0x19f: {  	[sflag:s23] =	ssyncset.done $0x0;
	s10 =	sand.u32 $0x180, s10  }
0x1a0: {  	p1 =	por $0x1, $0x1;
	[sflag:s23] =	ssyncadd.s32 $0xFFFFC000;
	s10 =	sadd.s32 $0x13108, s10  }
0x1a1: {  	[tilespmem:s11], [sflag:$0x1] =	stream.indirect.gather [spmem:s2], $0x80, s10, s15, $0xb8;
	[tilespmem:$0x1F308] =	vst v63  }
0x1a2: {  	_ = 	snop  }
.LBB2_16:
0x1a3: {  	_ =	sfence.sel $0x180000  }
0x1a4: {  	[bflag:$0x0] =	sbarrier.arrive $0xFFFF  }
0x1a5: {  	_ =	strace $0x90000047  }
0x1a6: {  	[bflag:$0x2] =	sbarrier.arrive $0xFFFF  }
0x1a7: {  	p0 =	sne.s32 s3, $0x0;
	s0 =	rddreg [dreg:$0x3]  }
0x1a8: {  	s0 =	sadd.s32 @!p0 $0x100000, s0  }
0x1a9: {  	[sflag:s0] =	ssyncadd.tile.s32 @!p0 $0x1;
	_ =	shalt  }
.Lfunc_end2:
_tile_overlayer_lowered:
.L_overlay_start_2:
0x1aa: {  	(tag) =	ssettag $0x2  }
0x1ab: {  	s0 =	rddreg [dreg:$0x0];
	s2 =	stileid.u32  }
0x1ac: {  	s1 =	rddreg [dreg:$0x1];
	p0 =	sne.s32 s2, $0x0  }
0x1ad: {  	s3 =	rddreg [dreg:$0x2];
	[bflag:$0x3] =	sbarrier.arrive $0xFFFF;
	s2 =	simm.s32 @!p0 $0x1C05  }
0x1ae: {  	[timem:s3], [sflag:s2] =	dma.local @!p0 [hbm:s0], s1  }
0x1af: {  	s0 =	simm.s32 @!p0 $0x5  }
0x1b0: {  	_ =	swait.ge @!p0 [sflag:s0], s1  }
0x1b1: {  	s1 =	ssub.s32 @!p0 $0x0, s1;
	[sflag:s0] =	ssyncset.done @!p0 $0x0  }
0x1b2: {  	[sflag:s0] =	ssyncadd.s32 @!p0 s1  }
0x1b3: {  	[bflag:$0x3] =	sbarrier.arrive $0xFFFF  }
0x1b4: {  	_ =	shalt  }

</sc_bundles>
